<compile_context>
chip_gen: v7x
topology: tpu7x:2x2x1
jax: 0.10.2.dev20260603
libtpu: 0.0.44.dev20260713+nightly
codegen_flags: <defaults>
</compile_context>

<pallas_src>
import functools

import jax
import jax.numpy as jnp
from jax import lax
from jax.experimental import pallas as pl
from jax.experimental.pallas import tpu as pltpu
from jax.experimental.pallas import tpu_sc as plsc

Q = 2048
N = 65536
D = 32
K = 8
TILE = 1024
NTILES = N // TILE
NCAND = NTILES * K
LANES = 16
NWORKERS = 32
QPW = Q // NWORKERS
RPW = QPW * K
IDX_CHUNK = 128
NCHUNKS = RPW // IDX_CHUNK


def _topk_tc_kernel(x_ref, qt_ref, w_out, ix_out, cand_v, cand_i):
    t = pl.program_id(0)

    xb = x_ref[...]
    qt = qt_ref[...]
    xsq = jnp.sum(xb * xb, axis=1, keepdims=True)
    qsq = jnp.sum(qt * qt, axis=0, keepdims=True)
    mm = lax.dot_general(xb, qt, (((1,), (0,)), ((), ())),
                         preferred_element_type=jnp.float32,
                         precision=lax.Precision.DEFAULT)
    d2 = (qsq - 2.0 * mm) + xsq

    h = TILE // 2
    va = d2[0:h, :]
    vb = d2[h:TILE, :]
    s = vb < va
    pv = jnp.where(s, vb, va)
    rv = jnp.where(s, va, vb)
    iota_h = lax.broadcasted_iota(jnp.int32, (h, Q), 0).astype(jnp.float32)
    half = jnp.where(s, float(h), 0.0)
    gv = iota_h + half
    g2 = iota_h + (float(h) - half)
    tile_v = []
    tile_i = []
    for _ in range(K):
        m = jnp.min(pv, axis=0, keepdims=True)
        y = jnp.where(pv == m, gv, float(TILE))
        p = jnp.min(y, axis=0, keepdims=True)
        tile_v.append(m)
        tile_i.append(p.astype(jnp.int32))
        sel = gv == p
        pv = jnp.where(sel, rv, pv)
        gv = jnp.where(sel, g2, gv)
        rv = jnp.where(sel, jnp.inf, rv)

    cand_v[pl.ds(t * K, K), :] = jnp.concatenate(tile_v, axis=0)
    cand_i[pl.ds(t * K, K), :] = (jnp.concatenate(tile_i, axis=0)
                                  + t * TILE)

    @pl.when(t == NTILES - 1)
    def _epilogue():
        cv = cand_v[...]
        ci = cand_i[...]
        iota2_f = lax.broadcasted_iota(jnp.int32, (NCAND, Q), 0).astype(jnp.float32)
        best_v = []
        best_i = []
        for _ in range(K):
            m = jnp.min(cv, axis=0, keepdims=True)
            y = jnp.where(cv == m, iota2_f, float(NCAND))
            p = jnp.min(y, axis=0, keepdims=True)
            sel = iota2_f == p
            gi = jnp.sum(jnp.where(sel, ci, 0), axis=0, keepdims=True)
            best_v.append(m)
            best_i.append(gi)
            cv = jnp.where(sel, jnp.inf, cv)
        d2b = jnp.concatenate(best_v, axis=0)
        dist = jnp.sqrt(jnp.maximum(d2b, 1e-12))
        sigma_sq = jnp.square(jnp.max(dist)) / 9.0
        w = jnp.exp(-jnp.square(dist) / (2.0 * sigma_sq))
        w = w / jnp.sum(w, axis=0, keepdims=True)
        w_out[...] = w
        ix_out[...] = jnp.concatenate(best_i, axis=0)


def _topk_weights(x, qt):
    return pl.pallas_call(
        _topk_tc_kernel,
        grid=(NTILES,),
        in_specs=[
            pl.BlockSpec((TILE, D), lambda t: (t, 0)),
            pl.BlockSpec((D, Q), lambda t: (0, 0)),
        ],
        out_specs=[
            pl.BlockSpec((K, Q), lambda t: (0, 0)),
            pl.BlockSpec((K, Q), lambda t: (0, 0)),
        ],
        out_shape=[
            jax.ShapeDtypeStruct((K, Q), jnp.float32),
            jax.ShapeDtypeStruct((K, Q), jnp.int32),
        ],
        scratch_shapes=[
            pltpu.VMEM((NCAND, Q), jnp.float32),
            pltpu.VMEM((NCAND, Q), jnp.int32),
        ],
    )(x, qt)


def _gather_sc_kernel(zt_hbm, idx_hbm, w_hbm, out_hbm,
                      idx_v, rows_v, w_v, out_v, sem):
    nc = plsc.get_sparse_core_info().num_cores
    wid = lax.axis_index("s") * nc + lax.axis_index("c")
    base = wid * RPW

    pltpu.sync_copy(idx_hbm.at[wid], idx_v)
    copies = []
    for c in range(NCHUNKS):
        copies.append(pltpu.async_copy(
            zt_hbm.at[idx_v.at[c]],
            rows_v.at[pl.ds(c * IDX_CHUNK, IDX_CHUNK)], sem))
    pltpu.sync_copy(w_hbm.at[pl.ds(base, RPW)], w_v)
    for cp in copies:
        cp.wait()

    def body(qi, _):
        r0 = qi * K
        acc0 = jnp.zeros((LANES,), jnp.float32)
        acc1 = jnp.zeros((LANES,), jnp.float32)
        for j in range(K):
            wv = w_v[r0 + j, :]
            acc0 = acc0 + rows_v[r0 + j, pl.ds(0, LANES)] * wv
            acc1 = acc1 + rows_v[r0 + j, pl.ds(LANES, LANES)] * wv
        out_v[qi, pl.ds(0, LANES)] = acc0
        out_v[qi, pl.ds(LANES, LANES)] = acc1
        return 0

    lax.fori_loop(0, QPW, body, 0)
    pltpu.sync_copy(out_v, out_hbm.at[pl.ds(wid * QPW, QPW)])


@functools.cache
def _weighted_gather():
    @functools.partial(
        pl.kernel,
        out_type=jax.ShapeDtypeStruct((Q, D), jnp.float32),
        mesh=plsc.VectorSubcoreMesh(core_axis_name="c", subcore_axis_name="s"),
        compiler_params=pltpu.CompilerParams(use_tc_tiling_on_sc=False),
        scratch_types=[
            pltpu.VMEM((NCHUNKS, IDX_CHUNK), jnp.int32),
            pltpu.VMEM((RPW, D), jnp.float32),
            pltpu.VMEM((RPW, LANES), jnp.float32),
            pltpu.VMEM((QPW, D), jnp.float32),
            pltpu.SemaphoreType.DMA,
        ],
    )
    def run(zt, idx, w, out, *scratch):
        _gather_sc_kernel(zt, idx, w, out, *scratch)

    return run


def kernel(x, q, z):
    w_kq, ix_kq = _topk_weights(x, q.T)
    zt = z.T
    idx = ix_kq.T.reshape(NWORKERS, NCHUNKS, IDX_CHUNK)
    w2 = jnp.broadcast_to(w_kq.T.reshape(Q * K, 1), (Q * K, LANES))
    out = _weighted_gather()(zt, idx, w2)
    return out.T

# --- scband reference (transcript-rebuilt; emitter-appended) ---
"""Pipeline reference for scband-inv-dist-tree-21534966022160 (READ-ONLY COPY).

The authoritative reference and input builder live on the scoring server;
editing this copy changes nothing except your own understanding.
"""

import jax, jax.numpy as jnp
import numpy as np

N_NEAR = 8
CHUNK = 512

def setup_inputs(seed: int = 0) -> dict:
    key = jax.random.key(seed)
    k1, k2, k3 = jax.random.split(key, 3)
    x = jax.random.normal(k1, (65536, 32), dtype=jnp.float32)
    q = jax.random.normal(k2, (2048, 32), dtype=jnp.float32)
    z = jax.random.normal(k3, (32, 65536), dtype=jnp.float32)
    return {"x": x, "q": q, "z": z}

def _knn(x, q, n_near):
    # brute-force kNN (replaces scipy cKDTree.query); returns (dist [Q,n], ix [Q,n])
    x_sq = jnp.sum(x * x, axis=1)
    dists = []
    idxs = []
    Q = q.shape[0]
    for s in range(0, Q, CHUNK):
        qc = q[s:s + CHUNK]
        d2 = jnp.sum(qc * qc, axis=1, keepdims=True) - 2.0 * (qc @ x.T) + x_sq[None, :]
        neg, ix = jax.lax.top_k(-d2, n_near)
        dists.append(jnp.sqrt(jnp.maximum(-neg, 1e-12)))
        idxs.append(ix)
    return jnp.concatenate(dists, axis=0), jnp.concatenate(idxs, axis=0)

def reference(x, q, z):
    # __init__ / calc_interpolation_weights
    dist, ix = _knn(x, q, N_NEAR)
    sigma_squared = jnp.square(jnp.max(dist)) / 9.0  # k = 1
    w = jnp.exp(-jnp.square(dist) / (2.0 * sigma_squared))  # gaussian dist coefs
    w = w / jnp.sum(w, axis=-1, keepdims=True)
    # __call__: gather z at neighbor indices, weighted sum over neighbors
    ans1 = jnp.sum(z[..., ix] * w, axis=-1)  # [32, 2048]
    return ans1

if __name__ == "__main__":
    import jax
    _d = setup_inputs()
    print(jax.jit(kernel)(*tuple(_d.values())))

</pallas_src>

<mosaic_0001>
#map = affine_map<(d0, d1) -> (0, 0)>
#map1 = affine_map<(d0, d1) -> (0, 0, 0)>
module attributes {stable_mosaic.version = 14 : i64} {
  func.func @run(%arg0: i32, %arg1: i32, %arg2: memref<65536x32xf32, #tpu.memory_space<hbm>>, %arg3: memref<32x4x128xi32, #tpu.memory_space<hbm>>, %arg4: memref<16384x16xf32, #tpu.memory_space<hbm>>, %arg5: memref<2048x32xf32, #tpu.memory_space<hbm>>, %arg6: memref<4x128xi32, #tpu.memory_space<vmem>>, %arg7: memref<512x32xf32, #tpu.memory_space<vmem>>, %arg8: memref<512x16xf32, #tpu.memory_space<vmem>>, %arg9: memref<64x32xf32, #tpu.memory_space<vmem>>, %arg10: memref<!tpu.dma_semaphore, #tpu.memory_space<semaphore_mem>>) attributes {dimension_semantics = [#tpu.dimension_semantics<core_parallel>, #tpu.dimension_semantics<subcore_parallel>], iteration_bounds = array<i64: 2, 16>, scalar_prefetch = 0 : i64, scratch_operands = 5 : i64, tpu.core_type = #tpu.core_type<sc_vector_subcore>, window_params = [{transform_indices = #map}, {transform_indices = #map1}, {transform_indices = #map}, {transform_indices = #map}]} {
    %mul3A = arith.constant 2 : i32
    %mul3A_0 = arith.muli %arg1, %mul3A : i32
    %add3A = arith.addi %mul3A_0, %arg0 : i32
    %mul3A_1 = arith.constant 512 : i32
    %mul3A_2 = arith.muli %add3A, %mul3A_1 : i32
    "tpu.region"() ({
      %run_scoped3A = tpu.sem_alloc : memref<!tpu.dma_semaphore, #tpu.memory_space<semaphore_mem>>
      %dma_start3A_89 = arith.constant 0 : i32
      %dma_start3A_90 = arith.constant 0 : i32
      %dma_start3A_91 = tpu.memref_slice %arg3[%add3A, %dma_start3A_89, %dma_start3A_90] : memref<32x4x128xi32, #tpu.memory_space<hbm>> -> memref<1x4x128xi32, #tpu.memory_space<hbm>>
      %dma_start3A_92 = tpu.memref_squeeze %dma_start3A_91 : memref<1x4x128xi32, #tpu.memory_space<hbm>> -> memref<4x128xi32, #tpu.memory_space<hbm>>
      %dma_start3A_93 = arith.constant 0 : i32
      %dma_start3A_94 = arith.constant 0 : i32
      %dma_start3A_95 = tpu.memref_slice %arg3[%add3A, %dma_start3A_93, %dma_start3A_94] : memref<32x4x128xi32, #tpu.memory_space<hbm>> -> memref<1x4x128xi32, #tpu.memory_space<hbm>>
      %dma_start3A_96 = tpu.memref_squeeze %dma_start3A_95 : memref<1x4x128xi32, #tpu.memory_space<hbm>> -> memref<4x128xi32, #tpu.memory_space<hbm>>
      tpu.enqueue_dma source(%dma_start3A_96 : memref<4x128xi32, #tpu.memory_space<hbm>>) target(%arg6 : memref<4x128xi32, #tpu.memory_space<vmem>>) target_semaphore(%run_scoped3A : memref<!tpu.dma_semaphore, #tpu.memory_space<semaphore_mem>>)
      %dma_wait3A_97 = arith.constant 0 : i32
      %dma_wait3A_98 = arith.constant 0 : i32
      %dma_wait3A_99 = tpu.memref_slice %arg3[%add3A, %dma_wait3A_97, %dma_wait3A_98] : memref<32x4x128xi32, #tpu.memory_space<hbm>> -> memref<1x4x128xi32, #tpu.memory_space<hbm>>
      %dma_wait3A_100 = tpu.memref_squeeze %dma_wait3A_99 : memref<1x4x128xi32, #tpu.memory_space<hbm>> -> memref<4x128xi32, #tpu.memory_space<hbm>>
      %dma_wait3A_101 = arith.constant 0 : i32
      %dma_wait3A_102 = arith.constant 0 : i32
      %dma_wait3A_103 = tpu.memref_slice %arg3[%add3A, %dma_wait3A_101, %dma_wait3A_102] : memref<32x4x128xi32, #tpu.memory_space<hbm>> -> memref<1x4x128xi32, #tpu.memory_space<hbm>>
      %dma_wait3A_104 = tpu.memref_squeeze %dma_wait3A_103 : memref<1x4x128xi32, #tpu.memory_space<hbm>> -> memref<4x128xi32, #tpu.memory_space<hbm>>
      tpu.wait_dma2 semaphore(%run_scoped3A : memref<!tpu.dma_semaphore, #tpu.memory_space<semaphore_mem>>) src(%dma_wait3A_104 : memref<4x128xi32, #tpu.memory_space<hbm>>) dst(%arg6 : memref<4x128xi32, #tpu.memory_space<vmem>>)
      tpu.yield
    }) : () -> ()
    %dma_start3A = arith.constant 0 : i32
    %dma_start3A_3 = arith.constant 0 : i32
    %dma_start3A_4 = arith.constant 0 : i32
    %dma_start3A_5 = tpu.memref_slice %arg7[%dma_start3A_3, %dma_start3A_4] : memref<512x32xf32, #tpu.memory_space<vmem>> -> memref<128x32xf32, #tpu.memory_space<vmem>>
    %dma_start3A_6 = arith.constant 0 : i32
    %dma_start3A_7 = tpu.memref_slice %arg6[%dma_start3A, %dma_start3A_6] : memref<4x128xi32, #tpu.memory_space<vmem>> -> memref<1x128xi32, #tpu.memory_space<vmem>>
    %dma_start3A_8 = tpu.memref_squeeze %dma_start3A_7 : memref<1x128xi32, #tpu.memory_space<vmem>> -> memref<128xi32, #tpu.memory_space<vmem>>
    %dma_start3A_9 = arith.constant 0 : i32
    %dma_start3A_10 = arith.constant 0 : i32
    %dma_start3A_11 = tpu.memref_slice %arg2[%dma_start3A_9, %dma_start3A_10] : memref<65536x32xf32, #tpu.memory_space<hbm>> -> memref<65536x32xf32, #tpu.memory_space<hbm>>
    tpu.enqueue_indirect_dma source(%dma_start3A_11 : memref<65536x32xf32, #tpu.memory_space<hbm>>) target(%dma_start3A_5 : memref<128x32xf32, #tpu.memory_space<vmem>>) offsets(%dma_start3A_8 : memref<128xi32, #tpu.memory_space<vmem>>) semaphore(%arg10 : memref<!tpu.dma_semaphore, #tpu.memory_space<semaphore_mem>>)
    %dma_start3A_12 = arith.constant 1 : i32
    %dma_start3A_13 = arith.constant 128 : i32
    %dma_start3A_14 = arith.constant 0 : i32
    %dma_start3A_15 = tpu.memref_slice %arg7[%dma_start3A_13, %dma_start3A_14] : memref<512x32xf32, #tpu.memory_space<vmem>> -> memref<128x32xf32, #tpu.memory_space<vmem>>
    %dma_start3A_16 = arith.constant 0 : i32
    %dma_start3A_17 = tpu.memref_slice %arg6[%dma_start3A_12, %dma_start3A_16] : memref<4x128xi32, #tpu.memory_space<vmem>> -> memref<1x128xi32, #tpu.memory_space<vmem>>
    %dma_start3A_18 = tpu.memref_squeeze %dma_start3A_17 : memref<1x128xi32, #tpu.memory_space<vmem>> -> memref<128xi32, #tpu.memory_space<vmem>>
    %dma_start3A_19 = arith.constant 0 : i32
    %dma_start3A_20 = arith.constant 0 : i32
    %dma_start3A_21 = tpu.memref_slice %arg2[%dma_start3A_19, %dma_start3A_20] : memref<65536x32xf32, #tpu.memory_space<hbm>> -> memref<65536x32xf32, #tpu.memory_space<hbm>>
    tpu.enqueue_indirect_dma source(%dma_start3A_21 : memref<65536x32xf32, #tpu.memory_space<hbm>>) target(%dma_start3A_15 : memref<128x32xf32, #tpu.memory_space<vmem>>) offsets(%dma_start3A_18 : memref<128xi32, #tpu.memory_space<vmem>>) semaphore(%arg10 : memref<!tpu.dma_semaphore, #tpu.memory_space<semaphore_mem>>)
    %dma_start3A_22 = arith.constant 2 : i32
    %dma_start3A_23 = arith.constant 256 : i32
    %dma_start3A_24 = arith.constant 0 : i32
    %dma_start3A_25 = tpu.memref_slice %arg7[%dma_start3A_23, %dma_start3A_24] : memref<512x32xf32, #tpu.memory_space<vmem>> -> memref<128x32xf32, #tpu.memory_space<vmem>>
    %dma_start3A_26 = arith.constant 0 : i32
    %dma_start3A_27 = tpu.memref_slice %arg6[%dma_start3A_22, %dma_start3A_26] : memref<4x128xi32, #tpu.memory_space<vmem>> -> memref<1x128xi32, #tpu.memory_space<vmem>>
    %dma_start3A_28 = tpu.memref_squeeze %dma_start3A_27 : memref<1x128xi32, #tpu.memory_space<vmem>> -> memref<128xi32, #tpu.memory_space<vmem>>
    %dma_start3A_29 = arith.constant 0 : i32
    %dma_start3A_30 = arith.constant 0 : i32
    %dma_start3A_31 = tpu.memref_slice %arg2[%dma_start3A_29, %dma_start3A_30] : memref<65536x32xf32, #tpu.memory_space<hbm>> -> memref<65536x32xf32, #tpu.memory_space<hbm>>
    tpu.enqueue_indirect_dma source(%dma_start3A_31 : memref<65536x32xf32, #tpu.memory_space<hbm>>) target(%dma_start3A_25 : memref<128x32xf32, #tpu.memory_space<vmem>>) offsets(%dma_start3A_28 : memref<128xi32, #tpu.memory_space<vmem>>) semaphore(%arg10 : memref<!tpu.dma_semaphore, #tpu.memory_space<semaphore_mem>>)
    %dma_start3A_32 = arith.constant 3 : i32
    %dma_start3A_33 = arith.constant 384 : i32
    %dma_start3A_34 = arith.constant 0 : i32
    %dma_start3A_35 = tpu.memref_slice %arg7[%dma_start3A_33, %dma_start3A_34] : memref<512x32xf32, #tpu.memory_space<vmem>> -> memref<128x32xf32, #tpu.memory_space<vmem>>
    %dma_start3A_36 = arith.constant 0 : i32
    %dma_start3A_37 = tpu.memref_slice %arg6[%dma_start3A_32, %dma_start3A_36] : memref<4x128xi32, #tpu.memory_space<vmem>> -> memref<1x128xi32, #tpu.memory_space<vmem>>
    %dma_start3A_38 = tpu.memref_squeeze %dma_start3A_37 : memref<1x128xi32, #tpu.memory_space<vmem>> -> memref<128xi32, #tpu.memory_space<vmem>>
    %dma_start3A_39 = arith.constant 0 : i32
    %dma_start3A_40 = arith.constant 0 : i32
    %dma_start3A_41 = tpu.memref_slice %arg2[%dma_start3A_39, %dma_start3A_40] : memref<65536x32xf32, #tpu.memory_space<hbm>> -> memref<65536x32xf32, #tpu.memory_space<hbm>>
    tpu.enqueue_indirect_dma source(%dma_start3A_41 : memref<65536x32xf32, #tpu.memory_space<hbm>>) target(%dma_start3A_35 : memref<128x32xf32, #tpu.memory_space<vmem>>) offsets(%dma_start3A_38 : memref<128xi32, #tpu.memory_space<vmem>>) semaphore(%arg10 : memref<!tpu.dma_semaphore, #tpu.memory_space<semaphore_mem>>)
    "tpu.region"() ({
      %run_scoped3A = tpu.sem_alloc : memref<!tpu.dma_semaphore, #tpu.memory_space<semaphore_mem>>
      %dma_start3A_89 = arith.constant 0 : i32
      %dma_start3A_90 = tpu.memref_slice %arg4[%mul3A_2, %dma_start3A_89] : memref<16384x16xf32, #tpu.memory_space<hbm>> -> memref<512x16xf32, #tpu.memory_space<hbm>>
      %dma_start3A_91 = arith.constant 0 : i32
      %dma_start3A_92 = tpu.memref_slice %arg4[%mul3A_2, %dma_start3A_91] : memref<16384x16xf32, #tpu.memory_space<hbm>> -> memref<512x16xf32, #tpu.memory_space<hbm>>
      tpu.enqueue_dma source(%dma_start3A_92 : memref<512x16xf32, #tpu.memory_space<hbm>>) target(%arg8 : memref<512x16xf32, #tpu.memory_space<vmem>>) target_semaphore(%run_scoped3A : memref<!tpu.dma_semaphore, #tpu.memory_space<semaphore_mem>>)
      %dma_wait3A_93 = arith.constant 0 : i32
      %dma_wait3A_94 = tpu.memref_slice %arg4[%mul3A_2, %dma_wait3A_93] : memref<16384x16xf32, #tpu.memory_space<hbm>> -> memref<512x16xf32, #tpu.memory_space<hbm>>
      %dma_wait3A_95 = arith.constant 0 : i32
      %dma_wait3A_96 = tpu.memref_slice %arg4[%mul3A_2, %dma_wait3A_95] : memref<16384x16xf32, #tpu.memory_space<hbm>> -> memref<512x16xf32, #tpu.memory_space<hbm>>
      tpu.wait_dma2 semaphore(%run_scoped3A : memref<!tpu.dma_semaphore, #tpu.memory_space<semaphore_mem>>) src(%dma_wait3A_96 : memref<512x16xf32, #tpu.memory_space<hbm>>) dst(%arg8 : memref<512x16xf32, #tpu.memory_space<vmem>>)
      tpu.yield
    }) : () -> ()
    %dma_wait3A = arith.constant 0 : i32
    %dma_wait3A_42 = arith.constant 0 : i32
    %dma_wait3A_43 = arith.constant 0 : i32
    %dma_wait3A_44 = tpu.memref_slice %arg7[%dma_wait3A_42, %dma_wait3A_43] : memref<512x32xf32, #tpu.memory_space<vmem>> -> memref<128x32xf32, #tpu.memory_space<vmem>>
    %dma_wait3A_45 = arith.constant 0 : i32
    %dma_wait3A_46 = tpu.memref_slice %arg6[%dma_wait3A, %dma_wait3A_45] : memref<4x128xi32, #tpu.memory_space<vmem>> -> memref<1x128xi32, #tpu.memory_space<vmem>>
    %dma_wait3A_47 = tpu.memref_squeeze %dma_wait3A_46 : memref<1x128xi32, #tpu.memory_space<vmem>> -> memref<128xi32, #tpu.memory_space<vmem>>
    %dma_wait3A_48 = arith.constant 0 : i32
    %dma_wait3A_49 = arith.constant 0 : i32
    %dma_wait3A_50 = tpu.memref_slice %arg2[%dma_wait3A_48, %dma_wait3A_49] : memref<65536x32xf32, #tpu.memory_space<hbm>> -> memref<65536x32xf32, #tpu.memory_space<hbm>>
    tpu.wait_indirect_dma semaphore(%arg10 : memref<!tpu.dma_semaphore, #tpu.memory_space<semaphore_mem>>) src(%dma_wait3A_50 : memref<65536x32xf32, #tpu.memory_space<hbm>>) dst(%dma_wait3A_44 : memref<128x32xf32, #tpu.memory_space<vmem>>)
    %dma_wait3A_51 = arith.constant 1 : i32
    %dma_wait3A_52 = arith.constant 128 : i32
    %dma_wait3A_53 = arith.constant 0 : i32
    %dma_wait3A_54 = tpu.memref_slice %arg7[%dma_wait3A_52, %dma_wait3A_53] : memref<512x32xf32, #tpu.memory_space<vmem>> -> memref<128x32xf32, #tpu.memory_space<vmem>>
    %dma_wait3A_55 = arith.constant 0 : i32
    %dma_wait3A_56 = tpu.memref_slice %arg6[%dma_wait3A_51, %dma_wait3A_55] : memref<4x128xi32, #tpu.memory_space<vmem>> -> memref<1x128xi32, #tpu.memory_space<vmem>>
    %dma_wait3A_57 = tpu.memref_squeeze %dma_wait3A_56 : memref<1x128xi32, #tpu.memory_space<vmem>> -> memref<128xi32, #tpu.memory_space<vmem>>
    %dma_wait3A_58 = arith.constant 0 : i32
    %dma_wait3A_59 = arith.constant 0 : i32
    %dma_wait3A_60 = tpu.memref_slice %arg2[%dma_wait3A_58, %dma_wait3A_59] : memref<65536x32xf32, #tpu.memory_space<hbm>> -> memref<65536x32xf32, #tpu.memory_space<hbm>>
    tpu.wait_indirect_dma semaphore(%arg10 : memref<!tpu.dma_semaphore, #tpu.memory_space<semaphore_mem>>) src(%dma_wait3A_60 : memref<65536x32xf32, #tpu.memory_space<hbm>>) dst(%dma_wait3A_54 : memref<128x32xf32, #tpu.memory_space<vmem>>)
    %dma_wait3A_61 = arith.constant 2 : i32
    %dma_wait3A_62 = arith.constant 256 : i32
    %dma_wait3A_63 = arith.constant 0 : i32
    %dma_wait3A_64 = tpu.memref_slice %arg7[%dma_wait3A_62, %dma_wait3A_63] : memref<512x32xf32, #tpu.memory_space<vmem>> -> memref<128x32xf32, #tpu.memory_space<vmem>>
    %dma_wait3A_65 = arith.constant 0 : i32
    %dma_wait3A_66 = tpu.memref_slice %arg6[%dma_wait3A_61, %dma_wait3A_65] : memref<4x128xi32, #tpu.memory_space<vmem>> -> memref<1x128xi32, #tpu.memory_space<vmem>>
    %dma_wait3A_67 = tpu.memref_squeeze %dma_wait3A_66 : memref<1x128xi32, #tpu.memory_space<vmem>> -> memref<128xi32, #tpu.memory_space<vmem>>
    %dma_wait3A_68 = arith.constant 0 : i32
    %dma_wait3A_69 = arith.constant 0 : i32
    %dma_wait3A_70 = tpu.memref_slice %arg2[%dma_wait3A_68, %dma_wait3A_69] : memref<65536x32xf32, #tpu.memory_space<hbm>> -> memref<65536x32xf32, #tpu.memory_space<hbm>>
    tpu.wait_indirect_dma semaphore(%arg10 : memref<!tpu.dma_semaphore, #tpu.memory_space<semaphore_mem>>) src(%dma_wait3A_70 : memref<65536x32xf32, #tpu.memory_space<hbm>>) dst(%dma_wait3A_64 : memref<128x32xf32, #tpu.memory_space<vmem>>)
    %dma_wait3A_71 = arith.constant 3 : i32
    %dma_wait3A_72 = arith.constant 384 : i32
    %dma_wait3A_73 = arith.constant 0 : i32
    %dma_wait3A_74 = tpu.memref_slice %arg7[%dma_wait3A_72, %dma_wait3A_73] : memref<512x32xf32, #tpu.memory_space<vmem>> -> memref<128x32xf32, #tpu.memory_space<vmem>>
    %dma_wait3A_75 = arith.constant 0 : i32
    %dma_wait3A_76 = tpu.memref_slice %arg6[%dma_wait3A_71, %dma_wait3A_75] : memref<4x128xi32, #tpu.memory_space<vmem>> -> memref<1x128xi32, #tpu.memory_space<vmem>>
    %dma_wait3A_77 = tpu.memref_squeeze %dma_wait3A_76 : memref<1x128xi32, #tpu.memory_space<vmem>> -> memref<128xi32, #tpu.memory_space<vmem>>
    %dma_wait3A_78 = arith.constant 0 : i32
    %dma_wait3A_79 = arith.constant 0 : i32
    %dma_wait3A_80 = tpu.memref_slice %arg2[%dma_wait3A_78, %dma_wait3A_79] : memref<65536x32xf32, #tpu.memory_space<hbm>> -> memref<65536x32xf32, #tpu.memory_space<hbm>>
    tpu.wait_indirect_dma semaphore(%arg10 : memref<!tpu.dma_semaphore, #tpu.memory_space<semaphore_mem>>) src(%dma_wait3A_80 : memref<65536x32xf32, #tpu.memory_space<hbm>>) dst(%dma_wait3A_74 : memref<128x32xf32, #tpu.memory_space<vmem>>)
    %scan3A = arith.constant 0 : i32
    %scan3A_81 = arith.constant 0 : i32
    %scan3A_82 = arith.constant 64 : i32
    %scan3A_83 = arith.addi %scan3A_81, %scan3A_82 : i32
    %scan3A_84 = arith.constant 1 : i32
    %scan3A_85 = scf.for %scan3A_89 = %scan3A_81 to %scan3A_83 step %scan3A_84 iter_args(%scan3A_90 = %scan3A) -> (i32)  : i32 {
      %mul3A_91 = arith.constant 8 : i32
      %mul3A_92 = arith.muli %scan3A_89, %mul3A_91 : i32
      %broadcast_in_dim3A = arith.constant 0.000000e+00 : f32
      %broadcast_in_dim3A_93 = vector.broadcast %broadcast_in_dim3A : f32 to vector<16xf32>
      %broadcast_in_dim3A_94 = arith.constant 0.000000e+00 : f32
      %broadcast_in_dim3A_95 = vector.broadcast %broadcast_in_dim3A_94 : f32 to vector<16xf32>
      %add3A_96 = arith.constant 0 : i32
      %add3A_97 = arith.addi %mul3A_92, %add3A_96 : i32
      %get3A = arith.index_cast %add3A_97 : i32 to index
      %get3A_98 = arith.constant 0 : index
      %get3A_99 = tpu.vector_load %arg8[%get3A, %get3A_98] {strides = array<i32>} : memref<512x16xf32, #tpu.memory_space<vmem>>, vector<1x16xf32>,
      %get3A_100 = vector.shape_cast %get3A_99 : vector<1x16xf32> to vector<16xf32>
      %add3A_101 = arith.constant 0 : i32
      %add3A_102 = arith.addi %mul3A_92, %add3A_101 : i32
      %get3A_103 = arith.index_cast %add3A_102 : i32 to index
      %get3A_104 = arith.constant 0 : index
      %get3A_105 = tpu.vector_load %arg7[%get3A_103, %get3A_104] {strides = array<i32>} : memref<512x32xf32, #tpu.memory_space<vmem>>, vector<1x16xf32>,
      %get3A_106 = vector.shape_cast %get3A_105 : vector<1x16xf32> to vector<16xf32>
      %mul3A_107 = arith.mulf %get3A_106, %get3A_100 : vector<16xf32>
      %add3A_108 = arith.addf %broadcast_in_dim3A_93, %mul3A_107 : vector<16xf32>
      %add3A_109 = arith.constant 0 : i32
      %add3A_110 = arith.addi %mul3A_92, %add3A_109 : i32
      %get3A_111 = arith.index_cast %add3A_110 : i32 to index
      %get3A_112 = arith.constant 16 : index
      %get3A_113 = tpu.vector_load %arg7[%get3A_111, %get3A_112] {strides = array<i32>} : memref<512x32xf32, #tpu.memory_space<vmem>>, vector<1x16xf32>,
      %get3A_114 = vector.shape_cast %get3A_113 : vector<1x16xf32> to vector<16xf32>
      %mul3A_115 = arith.mulf %get3A_114, %get3A_100 : vector<16xf32>
      %add3A_116 = arith.addf %broadcast_in_dim3A_95, %mul3A_115 : vector<16xf32>
      %add3A_117 = arith.constant 1 : i32
      %add3A_118 = arith.addi %mul3A_92, %add3A_117 : i32
      %get3A_119 = arith.index_cast %add3A_118 : i32 to index
      %get3A_120 = arith.constant 0 : index
      %get3A_121 = tpu.vector_load %arg8[%get3A_119, %get3A_120] {strides = array<i32>} : memref<512x16xf32, #tpu.memory_space<vmem>>, vector<1x16xf32>,
      %get3A_122 = vector.shape_cast %get3A_121 : vector<1x16xf32> to vector<16xf32>
      %add3A_123 = arith.constant 1 : i32
      %add3A_124 = arith.addi %mul3A_92, %add3A_123 : i32
      %get3A_125 = arith.index_cast %add3A_124 : i32 to index
      %get3A_126 = arith.constant 0 : index
      %get3A_127 = tpu.vector_load %arg7[%get3A_125, %get3A_126] {strides = array<i32>} : memref<512x32xf32, #tpu.memory_space<vmem>>, vector<1x16xf32>,
      %get3A_128 = vector.shape_cast %get3A_127 : vector<1x16xf32> to vector<16xf32>
      %mul3A_129 = arith.mulf %get3A_128, %get3A_122 : vector<16xf32>
      %add3A_130 = arith.addf %add3A_108, %mul3A_129 : vector<16xf32>
      %add3A_131 = arith.constant 1 : i32
      %add3A_132 = arith.addi %mul3A_92, %add3A_131 : i32
      %get3A_133 = arith.index_cast %add3A_132 : i32 to index
      %get3A_134 = arith.constant 16 : index
      %get3A_135 = tpu.vector_load %arg7[%get3A_133, %get3A_134] {strides = array<i32>} : memref<512x32xf32, #tpu.memory_space<vmem>>, vector<1x16xf32>,
      %get3A_136 = vector.shape_cast %get3A_135 : vector<1x16xf32> to vector<16xf32>
      %mul3A_137 = arith.mulf %get3A_136, %get3A_122 : vector<16xf32>
      %add3A_138 = arith.addf %add3A_116, %mul3A_137 : vector<16xf32>
      %add3A_139 = arith.constant 2 : i32
      %add3A_140 = arith.addi %mul3A_92, %add3A_139 : i32
      %get3A_141 = arith.index_cast %add3A_140 : i32 to index
      %get3A_142 = arith.constant 0 : index
      %get3A_143 = tpu.vector_load %arg8[%get3A_141, %get3A_142] {strides = array<i32>} : memref<512x16xf32, #tpu.memory_space<vmem>>, vector<1x16xf32>,
      %get3A_144 = vector.shape_cast %get3A_143 : vector<1x16xf32> to vector<16xf32>
      %add3A_145 = arith.constant 2 : i32
      %add3A_146 = arith.addi %mul3A_92, %add3A_145 : i32
      %get3A_147 = arith.index_cast %add3A_146 : i32 to index
      %get3A_148 = arith.constant 0 : index
      %get3A_149 = tpu.vector_load %arg7[%get3A_147, %get3A_148] {strides = array<i32>} : memref<512x32xf32, #tpu.memory_space<vmem>>, vector<1x16xf32>,
      %get3A_150 = vector.shape_cast %get3A_149 : vector<1x16xf32> to vector<16xf32>
      %mul3A_151 = arith.mulf %get3A_150, %get3A_144 : vector<16xf32>
      %add3A_152 = arith.addf %add3A_130, %mul3A_151 : vector<16xf32>
      %add3A_153 = arith.constant 2 : i32
      %add3A_154 = arith.addi %mul3A_92, %add3A_153 : i32
      %get3A_155 = arith.index_cast %add3A_154 : i32 to index
      %get3A_156 = arith.constant 16 : index
      %get3A_157 = tpu.vector_load %arg7[%get3A_155, %get3A_156] {strides = array<i32>} : memref<512x32xf32, #tpu.memory_space<vmem>>, vector<1x16xf32>,
      %get3A_158 = vector.shape_cast %get3A_157 : vector<1x16xf32> to vector<16xf32>
      %mul3A_159 = arith.mulf %get3A_158, %get3A_144 : vector<16xf32>
      %add3A_160 = arith.addf %add3A_138, %mul3A_159 : vector<16xf32>
      %add3A_161 = arith.constant 3 : i32
      %add3A_162 = arith.addi %mul3A_92, %add3A_161 : i32
      %get3A_163 = arith.index_cast %add3A_162 : i32 to index
      %get3A_164 = arith.constant 0 : index
      %get3A_165 = tpu.vector_load %arg8[%get3A_163, %get3A_164] {strides = array<i32>} : memref<512x16xf32, #tpu.memory_space<vmem>>, vector<1x16xf32>,
      %get3A_166 = vector.shape_cast %get3A_165 : vector<1x16xf32> to vector<16xf32>
      %add3A_167 = arith.constant 3 : i32
      %add3A_168 = arith.addi %mul3A_92, %add3A_167 : i32
      %get3A_169 = arith.index_cast %add3A_168 : i32 to index
      %get3A_170 = arith.constant 0 : index
      %get3A_171 = tpu.vector_load %arg7[%get3A_169, %get3A_170] {strides = array<i32>} : memref<512x32xf32, #tpu.memory_space<vmem>>, vector<1x16xf32>,
      %get3A_172 = vector.shape_cast %get3A_171 : vector<1x16xf32> to vector<16xf32>
      %mul3A_173 = arith.mulf %get3A_172, %get3A_166 : vector<16xf32>
      %add3A_174 = arith.addf %add3A_152, %mul3A_173 : vector<16xf32>
      %add3A_175 = arith.constant 3 : i32
      %add3A_176 = arith.addi %mul3A_92, %add3A_175 : i32
      %get3A_177 = arith.index_cast %add3A_176 : i32 to index
      %get3A_178 = arith.constant 16 : index
      %get3A_179 = tpu.vector_load %arg7[%get3A_177, %get3A_178] {strides = array<i32>} : memref<512x32xf32, #tpu.memory_space<vmem>>, vector<1x16xf32>,
      %get3A_180 = vector.shape_cast %get3A_179 : vector<1x16xf32> to vector<16xf32>
      %mul3A_181 = arith.mulf %get3A_180, %get3A_166 : vector<16xf32>
      %add3A_182 = arith.addf %add3A_160, %mul3A_181 : vector<16xf32>
      %add3A_183 = arith.constant 4 : i32
      %add3A_184 = arith.addi %mul3A_92, %add3A_183 : i32
      %get3A_185 = arith.index_cast %add3A_184 : i32 to index
      %get3A_186 = arith.constant 0 : index
      %get3A_187 = tpu.vector_load %arg8[%get3A_185, %get3A_186] {strides = array<i32>} : memref<512x16xf32, #tpu.memory_space<vmem>>, vector<1x16xf32>,
      %get3A_188 = vector.shape_cast %get3A_187 : vector<1x16xf32> to vector<16xf32>
      %add3A_189 = arith.constant 4 : i32
      %add3A_190 = arith.addi %mul3A_92, %add3A_189 : i32
      %get3A_191 = arith.index_cast %add3A_190 : i32 to index
      %get3A_192 = arith.constant 0 : index
      %get3A_193 = tpu.vector_load %arg7[%get3A_191, %get3A_192] {strides = array<i32>} : memref<512x32xf32, #tpu.memory_space<vmem>>, vector<1x16xf32>,
      %get3A_194 = vector.shape_cast %get3A_193 : vector<1x16xf32> to vector<16xf32>
      %mul3A_195 = arith.mulf %get3A_194, %get3A_188 : vector<16xf32>
      %add3A_196 = arith.addf %add3A_174, %mul3A_195 : vector<16xf32>
      %add3A_197 = arith.constant 4 : i32
      %add3A_198 = arith.addi %mul3A_92, %add3A_197 : i32
      %get3A_199 = arith.index_cast %add3A_198 : i32 to index
      %get3A_200 = arith.constant 16 : index
      %get3A_201 = tpu.vector_load %arg7[%get3A_199, %get3A_200] {strides = array<i32>} : memref<512x32xf32, #tpu.memory_space<vmem>>, vector<1x16xf32>,
      %get3A_202 = vector.shape_cast %get3A_201 : vector<1x16xf32> to vector<16xf32>
      %mul3A_203 = arith.mulf %get3A_202, %get3A_188 : vector<16xf32>
      %add3A_204 = arith.addf %add3A_182, %mul3A_203 : vector<16xf32>
      %add3A_205 = arith.constant 5 : i32
      %add3A_206 = arith.addi %mul3A_92, %add3A_205 : i32
      %get3A_207 = arith.index_cast %add3A_206 : i32 to index
      %get3A_208 = arith.constant 0 : index
      %get3A_209 = tpu.vector_load %arg8[%get3A_207, %get3A_208] {strides = array<i32>} : memref<512x16xf32, #tpu.memory_space<vmem>>, vector<1x16xf32>,
      %get3A_210 = vector.shape_cast %get3A_209 : vector<1x16xf32> to vector<16xf32>
      %add3A_211 = arith.constant 5 : i32
      %add3A_212 = arith.addi %mul3A_92, %add3A_211 : i32
      %get3A_213 = arith.index_cast %add3A_212 : i32 to index
      %get3A_214 = arith.constant 0 : index
      %get3A_215 = tpu.vector_load %arg7[%get3A_213, %get3A_214] {strides = array<i32>} : memref<512x32xf32, #tpu.memory_space<vmem>>, vector<1x16xf32>,
      %get3A_216 = vector.shape_cast %get3A_215 : vector<1x16xf32> to vector<16xf32>
      %mul3A_217 = arith.mulf %get3A_216, %get3A_210 : vector<16xf32>
      %add3A_218 = arith.addf %add3A_196, %mul3A_217 : vector<16xf32>
      %add3A_219 = arith.constant 5 : i32
      %add3A_220 = arith.addi %mul3A_92, %add3A_219 : i32
      %get3A_221 = arith.index_cast %add3A_220 : i32 to index
      %get3A_222 = arith.constant 16 : index
      %get3A_223 = tpu.vector_load %arg7[%get3A_221, %get3A_222] {strides = array<i32>} : memref<512x32xf32, #tpu.memory_space<vmem>>, vector<1x16xf32>,
      %get3A_224 = vector.shape_cast %get3A_223 : vector<1x16xf32> to vector<16xf32>
      %mul3A_225 = arith.mulf %get3A_224, %get3A_210 : vector<16xf32>
      %add3A_226 = arith.addf %add3A_204, %mul3A_225 : vector<16xf32>
      %add3A_227 = arith.constant 6 : i32
      %add3A_228 = arith.addi %mul3A_92, %add3A_227 : i32
      %get3A_229 = arith.index_cast %add3A_228 : i32 to index
      %get3A_230 = arith.constant 0 : index
      %get3A_231 = tpu.vector_load %arg8[%get3A_229, %get3A_230] {strides = array<i32>} : memref<512x16xf32, #tpu.memory_space<vmem>>, vector<1x16xf32>,
      %get3A_232 = vector.shape_cast %get3A_231 : vector<1x16xf32> to vector<16xf32>
      %add3A_233 = arith.constant 6 : i32
      %add3A_234 = arith.addi %mul3A_92, %add3A_233 : i32
      %get3A_235 = arith.index_cast %add3A_234 : i32 to index
      %get3A_236 = arith.constant 0 : index
      %get3A_237 = tpu.vector_load %arg7[%get3A_235, %get3A_236] {strides = array<i32>} : memref<512x32xf32, #tpu.memory_space<vmem>>, vector<1x16xf32>,
      %get3A_238 = vector.shape_cast %get3A_237 : vector<1x16xf32> to vector<16xf32>
      %mul3A_239 = arith.mulf %get3A_238, %get3A_232 : vector<16xf32>
      %add3A_240 = arith.addf %add3A_218, %mul3A_239 : vector<16xf32>
      %add3A_241 = arith.constant 6 : i32
      %add3A_242 = arith.addi %mul3A_92, %add3A_241 : i32
      %get3A_243 = arith.index_cast %add3A_242 : i32 to index
      %get3A_244 = arith.constant 16 : index
      %get3A_245 = tpu.vector_load %arg7[%get3A_243, %get3A_244] {strides = array<i32>} : memref<512x32xf32, #tpu.memory_space<vmem>>, vector<1x16xf32>,
      %get3A_246 = vector.shape_cast %get3A_245 : vector<1x16xf32> to vector<16xf32>
      %mul3A_247 = arith.mulf %get3A_246, %get3A_232 : vector<16xf32>
      %add3A_248 = arith.addf %add3A_226, %mul3A_247 : vector<16xf32>
      %add3A_249 = arith.constant 7 : i32
      %add3A_250 = arith.addi %mul3A_92, %add3A_249 : i32
      %get3A_251 = arith.index_cast %add3A_250 : i32 to index
      %get3A_252 = arith.constant 0 : index
      %get3A_253 = tpu.vector_load %arg8[%get3A_251, %get3A_252] {strides = array<i32>} : memref<512x16xf32, #tpu.memory_space<vmem>>, vector<1x16xf32>,
      %get3A_254 = vector.shape_cast %get3A_253 : vector<1x16xf32> to vector<16xf32>
      %add3A_255 = arith.constant 7 : i32
      %add3A_256 = arith.addi %mul3A_92, %add3A_255 : i32
      %get3A_257 = arith.index_cast %add3A_256 : i32 to index
      %get3A_258 = arith.constant 0 : index
      %get3A_259 = tpu.vector_load %arg7[%get3A_257, %get3A_258] {strides = array<i32>} : memref<512x32xf32, #tpu.memory_space<vmem>>, vector<1x16xf32>,
      %get3A_260 = vector.shape_cast %get3A_259 : vector<1x16xf32> to vector<16xf32>
      %mul3A_261 = arith.mulf %get3A_260, %get3A_254 : vector<16xf32>
      %add3A_262 = arith.addf %add3A_240, %mul3A_261 : vector<16xf32>
      %add3A_263 = arith.constant 7 : i32
      %add3A_264 = arith.addi %mul3A_92, %add3A_263 : i32
      %get3A_265 = arith.index_cast %add3A_264 : i32 to index
      %get3A_266 = arith.constant 16 : index
      %get3A_267 = tpu.vector_load %arg7[%get3A_265, %get3A_266] {strides = array<i32>} : memref<512x32xf32, #tpu.memory_space<vmem>>, vector<1x16xf32>,
      %get3A_268 = vector.shape_cast %get3A_267 : vector<1x16xf32> to vector<16xf32>
      %mul3A_269 = arith.mulf %get3A_268, %get3A_254 : vector<16xf32>
      %add3A_270 = arith.addf %add3A_248, %mul3A_269 : vector<16xf32>
      %swap3A = arith.index_cast %scan3A_89 : i32 to index
      %swap3A_271 = arith.constant 0 : index
      %swap3A_272 = tpu.vector_load %arg9[%swap3A, %swap3A_271] {strides = array<i32>} : memref<64x32xf32, #tpu.memory_space<vmem>>, vector<1x16xf32>,
      %swap3A_273 = vector.shape_cast %swap3A_272 : vector<1x16xf32> to vector<16xf32>
      %swap3A_274 = vector.shape_cast %add3A_262 : vector<16xf32> to vector<1x16xf32>
      tpu.vector_store %arg9[%swap3A, %swap3A_271], %swap3A_274 {strides = array<i32>} : memref<64x32xf32, #tpu.memory_space<vmem>>, vector<1x16xf32>,
      %swap3A_275 = arith.index_cast %scan3A_89 : i32 to index
      %swap3A_276 = arith.constant 16 : index
      %swap3A_277 = tpu.vector_load %arg9[%swap3A_275, %swap3A_276] {strides = array<i32>} : memref<64x32xf32, #tpu.memory_space<vmem>>, vector<1x16xf32>,
      %swap3A_278 = vector.shape_cast %swap3A_277 : vector<1x16xf32> to vector<16xf32>
      %swap3A_279 = vector.shape_cast %add3A_270 : vector<16xf32> to vector<1x16xf32>
      tpu.vector_store %arg9[%swap3A_275, %swap3A_276], %swap3A_279 {strides = array<i32>} : memref<64x32xf32, #tpu.memory_space<vmem>>, vector<1x16xf32>,
      %scan3A_280 = arith.constant 0 : i32
      scf.yield %scan3A_280 : i32
    }
    %scan3A_86 = arith.constant 64 : i32
    %mul3A_87 = arith.constant 64 : i32
    %mul3A_88 = arith.muli %add3A, %mul3A_87 : i32
    "tpu.region"() ({
      %run_scoped3A = tpu.sem_alloc : memref<!tpu.dma_semaphore, #tpu.memory_space<semaphore_mem>>
      %dma_start3A_89 = arith.constant 0 : i32
      %dma_start3A_90 = tpu.memref_slice %arg5[%mul3A_88, %dma_start3A_89] : memref<2048x32xf32, #tpu.memory_space<hbm>> -> memref<64x32xf32, #tpu.memory_space<hbm>>
      %dma_start3A_91 = arith.constant 0 : i32
      %dma_start3A_92 = tpu.memref_slice %arg5[%mul3A_88, %dma_start3A_91] : memref<2048x32xf32, #tpu.memory_space<hbm>> -> memref<64x32xf32, #tpu.memory_space<hbm>>
      tpu.enqueue_dma source(%arg9 : memref<64x32xf32, #tpu.memory_space<vmem>>) target(%dma_start3A_92 : memref<64x32xf32, #tpu.memory_space<hbm>>) target_semaphore(%run_scoped3A : memref<!tpu.dma_semaphore, #tpu.memory_space<semaphore_mem>>)
      %dma_wait3A_93 = arith.constant 0 : i32
      %dma_wait3A_94 = tpu.memref_slice %arg5[%mul3A_88, %dma_wait3A_93] : memref<2048x32xf32, #tpu.memory_space<hbm>> -> memref<64x32xf32, #tpu.memory_space<hbm>>
      %dma_wait3A_95 = arith.constant 0 : i32
      %dma_wait3A_96 = tpu.memref_slice %arg5[%mul3A_88, %dma_wait3A_95] : memref<2048x32xf32, #tpu.memory_space<hbm>> -> memref<64x32xf32, #tpu.memory_space<hbm>>
      tpu.wait_dma2 semaphore(%run_scoped3A : memref<!tpu.dma_semaphore, #tpu.memory_space<semaphore_mem>>) src(%arg9 : memref<64x32xf32, #tpu.memory_space<vmem>>) dst(%dma_wait3A_96 : memref<64x32xf32, #tpu.memory_space<hbm>>)
      tpu.yield
    }) : () -> ()
    return
  }
}

module attributes {stable_mosaic.version = 14 : i64} {
  func.func @_topk_tc_kernel(%arg0: i32, %arg1: memref<1024x32xf32, #tpu.memory_space<vmem>>, %arg2: memref<32x2048xf32, #tpu.memory_space<vmem>>, %arg3: memref<8x2048xf32, #tpu.memory_space<vmem>>, %arg4: memref<8x2048xi32, #tpu.memory_space<vmem>>, %arg5: memref<512x2048xf32, #tpu.memory_space<vmem>>, %arg6: memref<512x2048xi32, #tpu.memory_space<vmem>>) attributes {dimension_semantics = [#tpu.dimension_semantics<arbitrary>], iteration_bounds = array<i64: 64>, scalar_prefetch = 0 : i64, scratch_operands = 2 : i64, tpu.core_type = #tpu.core_type<tc>, window_params = [{transform_indices = @transform_0, window_bounds = array<i64: 1024, 32>}, {pipeline_mode = #tpu.pipeline_mode<synchronous>, transform_indices = @transform_1, window_bounds = array<i64: 32, 2048>}, {pipeline_mode = #tpu.pipeline_mode<synchronous>, transform_indices = @transform_2, window_bounds = array<i64: 8, 2048>}, {pipeline_mode = #tpu.pipeline_mode<synchronous>, transform_indices = @transform_3, window_bounds = array<i64: 8, 2048>}]} {
    %get3A = arith.constant 0 : index
    %get3A_0 = arith.constant 0 : index
    %get3A_1 = vector.load %arg1[%get3A, %get3A_0] : memref<1024x32xf32, #tpu.memory_space<vmem>>, vector<1024x32xf32>
    %get3A_2 = arith.constant 0 : index
    %get3A_3 = arith.constant 0 : index
    %get3A_4 = vector.load %arg2[%get3A_2, %get3A_3] : memref<32x2048xf32, #tpu.memory_space<vmem>>, vector<32x2048xf32>
    %mul3A = arith.mulf %get3A_1, %get3A_1 : vector<1024x32xf32>
    %reduce_sum3A = arith.constant dense<0.000000e+00> : vector<1024xf32>
    %reduce_sum3A_5 = vector.multi_reduction <add>, %mul3A, %reduce_sum3A [1] : vector<1024x32xf32> to vector<1024xf32>
    %broadcast_in_dim3A = vector.shape_cast %reduce_sum3A_5 : vector<1024xf32> to vector<1024x1xf32>
    %mul3A_6 = arith.mulf %get3A_4, %get3A_4 : vector<32x2048xf32>
    %reduce_sum3A_7 = arith.constant dense<0.000000e+00> : vector<2048xf32>
    %reduce_sum3A_8 = vector.multi_reduction <add>, %mul3A_6, %reduce_sum3A_7 [0] : vector<32x2048xf32> to vector<2048xf32>
    %broadcast_in_dim3A_9 = vector.shape_cast %reduce_sum3A_8 : vector<2048xf32> to vector<1x2048xf32>
    %dot_general3A = arith.constant dense<0.000000e+00> : vector<1024x2048xf32>
    %dot_general3A_10 = tpu.matmul %get3A_1, %get3A_4, %dot_general3A {dimension_numbers = #tpu.dot_dimension_numbers<[1], [0], [0], [1], [0, 0, 1, 1], [], []>, transpose_lhs_hint = false} : vector<1024x32xf32>, vector<32x2048xf32>, vector<1024x2048xf32> -> vector<1024x2048xf32>
    %mul3A_11 = arith.constant 2.000000e+00 : f32
    %mul3A_12 = vector.broadcast %mul3A_11 : f32 to vector<1024x2048xf32>
    %mul3A_13 = arith.mulf %mul3A_12, %dot_general3A_10 : vector<1024x2048xf32>
    %sub3A = vector.broadcast %broadcast_in_dim3A_9 : vector<1x2048xf32> to vector<1024x2048xf32>
    %sub3A_14 = arith.subf %sub3A, %mul3A_13 : vector<1024x2048xf32>
    %add3A = vector.broadcast %broadcast_in_dim3A : vector<1024x1xf32> to vector<1024x2048xf32>
    %add3A_15 = arith.addf %sub3A_14, %add3A : vector<1024x2048xf32>
    %slice3A = vector.extract_strided_slice %add3A_15 {offsets = [0, 0], sizes = [512, 2048], strides = [1, 1]} : vector<1024x2048xf32> to vector<512x2048xf32>
    %slice3A_16 = vector.extract_strided_slice %add3A_15 {offsets = [512, 0], sizes = [512, 2048], strides = [1, 1]} : vector<1024x2048xf32> to vector<512x2048xf32>
    %lt3A = arith.cmpf olt, %slice3A_16, %slice3A : vector<512x2048xf32>
    %select_n3A = arith.select %lt3A, %slice3A_16, %slice3A : vector<512x2048xi1>, vector<512x2048xf32>
    %select_n3A_17 = arith.select %lt3A, %slice3A, %slice3A_16 : vector<512x2048xi1>, vector<512x2048xf32>
    %iota3A = tpu.iota {dimensions = array<i32: 0>} : vector<512x2048xi32>
    %convert_element_type3A = arith.sitofp %iota3A : vector<512x2048xi32> to vector<512x2048xf32>
    %jit3A = arith.constant 5.120000e+02 : f32
    %jit3A_18 = arith.constant 0.000000e+00 : f32
    %broadcast_in_dim3A_19 = vector.broadcast %jit3A : f32 to vector<512x2048xf32>
    %broadcast_in_dim3A_20 = vector.broadcast %jit3A_18 : f32 to vector<512x2048xf32>
    %select_n3A_21 = arith.select %lt3A, %broadcast_in_dim3A_19, %broadcast_in_dim3A_20 : vector<512x2048xi1>, vector<512x2048xf32>
    %add3A_22 = arith.addf %convert_element_type3A, %select_n3A_21 : vector<512x2048xf32>
    %sub3A_23 = arith.constant 5.120000e+02 : f32
    %sub3A_24 = vector.broadcast %sub3A_23 : f32 to vector<512x2048xf32>
    %sub3A_25 = arith.subf %sub3A_24, %select_n3A_21 : vector<512x2048xf32>
    %add3A_26 = arith.addf %convert_element_type3A, %sub3A_25 : vector<512x2048xf32>
    %reduce_min3A = arith.constant dense<0x7F800000> : vector<2048xf32>
    %reduce_min3A_27 = vector.multi_reduction <minimumf>, %select_n3A, %reduce_min3A [0] : vector<512x2048xf32> to vector<2048xf32>
    %broadcast_in_dim3A_28 = vector.shape_cast %reduce_min3A_27 : vector<2048xf32> to vector<1x2048xf32>
    %eq3A = vector.broadcast %broadcast_in_dim3A_28 : vector<1x2048xf32> to vector<512x2048xf32>
    %eq3A_29 = arith.cmpf oeq, %select_n3A, %eq3A : vector<512x2048xf32>
    %jit3A_30 = arith.constant 1.024000e+03 : f32
    %broadcast_in_dim3A_31 = vector.broadcast %jit3A_30 : f32 to vector<512x2048xf32>
    %select_n3A_32 = arith.select %eq3A_29, %add3A_22, %broadcast_in_dim3A_31 : vector<512x2048xi1>, vector<512x2048xf32>
    %reduce_min3A_33 = arith.constant dense<0x7F800000> : vector<2048xf32>
    %reduce_min3A_34 = vector.multi_reduction <minimumf>, %select_n3A_32, %reduce_min3A_33 [0] : vector<512x2048xf32> to vector<2048xf32>
    %broadcast_in_dim3A_35 = vector.shape_cast %reduce_min3A_34 : vector<2048xf32> to vector<1x2048xf32>
    %convert_element_type3A_36 = arith.fptosi %broadcast_in_dim3A_35 : vector<1x2048xf32> to vector<1x2048xi32>
    %eq3A_37 = vector.broadcast %broadcast_in_dim3A_35 : vector<1x2048xf32> to vector<512x2048xf32>
    %eq3A_38 = arith.cmpf oeq, %add3A_22, %eq3A_37 : vector<512x2048xf32>
    %select_n3A_39 = arith.select %eq3A_38, %select_n3A_17, %select_n3A : vector<512x2048xi1>, vector<512x2048xf32>
    %select_n3A_40 = arith.select %eq3A_38, %add3A_26, %add3A_22 : vector<512x2048xi1>, vector<512x2048xf32>
    %jit3A_41 = arith.constant 0x7F800000 : f32
    %broadcast_in_dim3A_42 = vector.broadcast %jit3A_41 : f32 to vector<512x2048xf32>
    %select_n3A_43 = arith.select %eq3A_38, %broadcast_in_dim3A_42, %select_n3A_17 : vector<512x2048xi1>, vector<512x2048xf32>
    %reduce_min3A_44 = arith.constant dense<0x7F800000> : vector<2048xf32>
    %reduce_min3A_45 = vector.multi_reduction <minimumf>, %select_n3A_39, %reduce_min3A_44 [0] : vector<512x2048xf32> to vector<2048xf32>
    %broadcast_in_dim3A_46 = vector.shape_cast %reduce_min3A_45 : vector<2048xf32> to vector<1x2048xf32>
    %eq3A_47 = vector.broadcast %broadcast_in_dim3A_46 : vector<1x2048xf32> to vector<512x2048xf32>
    %eq3A_48 = arith.cmpf oeq, %select_n3A_39, %eq3A_47 : vector<512x2048xf32>
    %jit3A_49 = arith.constant 1.024000e+03 : f32
    %broadcast_in_dim3A_50 = vector.broadcast %jit3A_49 : f32 to vector<512x2048xf32>
    %select_n3A_51 = arith.select %eq3A_48, %select_n3A_40, %broadcast_in_dim3A_50 : vector<512x2048xi1>, vector<512x2048xf32>
    %reduce_min3A_52 = arith.constant dense<0x7F800000> : vector<2048xf32>
    %reduce_min3A_53 = vector.multi_reduction <minimumf>, %select_n3A_51, %reduce_min3A_52 [0] : vector<512x2048xf32> to vector<2048xf32>
    %broadcast_in_dim3A_54 = vector.shape_cast %reduce_min3A_53 : vector<2048xf32> to vector<1x2048xf32>
    %convert_element_type3A_55 = arith.fptosi %broadcast_in_dim3A_54 : vector<1x2048xf32> to vector<1x2048xi32>
    %eq3A_56 = vector.broadcast %broadcast_in_dim3A_54 : vector<1x2048xf32> to vector<512x2048xf32>
    %eq3A_57 = arith.cmpf oeq, %select_n3A_40, %eq3A_56 : vector<512x2048xf32>
    %select_n3A_58 = arith.select %eq3A_57, %select_n3A_43, %select_n3A_39 : vector<512x2048xi1>, vector<512x2048xf32>
    %select_n3A_59 = arith.select %eq3A_57, %add3A_26, %select_n3A_40 : vector<512x2048xi1>, vector<512x2048xf32>
    %jit3A_60 = arith.constant 0x7F800000 : f32
    %broadcast_in_dim3A_61 = vector.broadcast %jit3A_60 : f32 to vector<512x2048xf32>
    %select_n3A_62 = arith.select %eq3A_57, %broadcast_in_dim3A_61, %select_n3A_43 : vector<512x2048xi1>, vector<512x2048xf32>
    %reduce_min3A_63 = arith.constant dense<0x7F800000> : vector<2048xf32>
    %reduce_min3A_64 = vector.multi_reduction <minimumf>, %select_n3A_58, %reduce_min3A_63 [0] : vector<512x2048xf32> to vector<2048xf32>
    %broadcast_in_dim3A_65 = vector.shape_cast %reduce_min3A_64 : vector<2048xf32> to vector<1x2048xf32>
    %eq3A_66 = vector.broadcast %broadcast_in_dim3A_65 : vector<1x2048xf32> to vector<512x2048xf32>
    %eq3A_67 = arith.cmpf oeq, %select_n3A_58, %eq3A_66 : vector<512x2048xf32>
    %jit3A_68 = arith.constant 1.024000e+03 : f32
    %broadcast_in_dim3A_69 = vector.broadcast %jit3A_68 : f32 to vector<512x2048xf32>
    %select_n3A_70 = arith.select %eq3A_67, %select_n3A_59, %broadcast_in_dim3A_69 : vector<512x2048xi1>, vector<512x2048xf32>
    %reduce_min3A_71 = arith.constant dense<0x7F800000> : vector<2048xf32>
    %reduce_min3A_72 = vector.multi_reduction <minimumf>, %select_n3A_70, %reduce_min3A_71 [0] : vector<512x2048xf32> to vector<2048xf32>
    %broadcast_in_dim3A_73 = vector.shape_cast %reduce_min3A_72 : vector<2048xf32> to vector<1x2048xf32>
    %convert_element_type3A_74 = arith.fptosi %broadcast_in_dim3A_73 : vector<1x2048xf32> to vector<1x2048xi32>
    %eq3A_75 = vector.broadcast %broadcast_in_dim3A_73 : vector<1x2048xf32> to vector<512x2048xf32>
    %eq3A_76 = arith.cmpf oeq, %select_n3A_59, %eq3A_75 : vector<512x2048xf32>
    %select_n3A_77 = arith.select %eq3A_76, %select_n3A_62, %select_n3A_58 : vector<512x2048xi1>, vector<512x2048xf32>
    %select_n3A_78 = arith.select %eq3A_76, %add3A_26, %select_n3A_59 : vector<512x2048xi1>, vector<512x2048xf32>
    %jit3A_79 = arith.constant 0x7F800000 : f32
    %broadcast_in_dim3A_80 = vector.broadcast %jit3A_79 : f32 to vector<512x2048xf32>
    %select_n3A_81 = arith.select %eq3A_76, %broadcast_in_dim3A_80, %select_n3A_62 : vector<512x2048xi1>, vector<512x2048xf32>
    %reduce_min3A_82 = arith.constant dense<0x7F800000> : vector<2048xf32>
    %reduce_min3A_83 = vector.multi_reduction <minimumf>, %select_n3A_77, %reduce_min3A_82 [0] : vector<512x2048xf32> to vector<2048xf32>
    %broadcast_in_dim3A_84 = vector.shape_cast %reduce_min3A_83 : vector<2048xf32> to vector<1x2048xf32>
    %eq3A_85 = vector.broadcast %broadcast_in_dim3A_84 : vector<1x2048xf32> to vector<512x2048xf32>
    %eq3A_86 = arith.cmpf oeq, %select_n3A_77, %eq3A_85 : vector<512x2048xf32>
    %jit3A_87 = arith.constant 1.024000e+03 : f32
    %broadcast_in_dim3A_88 = vector.broadcast %jit3A_87 : f32 to vector<512x2048xf32>
    %select_n3A_89 = arith.select %eq3A_86, %select_n3A_78, %broadcast_in_dim3A_88 : vector<512x2048xi1>, vector<512x2048xf32>
    %reduce_min3A_90 = arith.constant dense<0x7F800000> : vector<2048xf32>
    %reduce_min3A_91 = vector.multi_reduction <minimumf>, %select_n3A_89, %reduce_min3A_90 [0] : vector<512x2048xf32> to vector<2048xf32>
    %broadcast_in_dim3A_92 = vector.shape_cast %reduce_min3A_91 : vector<2048xf32> to vector<1x2048xf32>
    %convert_element_type3A_93 = arith.fptosi %broadcast_in_dim3A_92 : vector<1x2048xf32> to vector<1x2048xi32>
    %eq3A_94 = vector.broadcast %broadcast_in_dim3A_92 : vector<1x2048xf32> to vector<512x2048xf32>
    %eq3A_95 = arith.cmpf oeq, %select_n3A_78, %eq3A_94 : vector<512x2048xf32>
    %select_n3A_96 = arith.select %eq3A_95, %select_n3A_81, %select_n3A_77 : vector<512x2048xi1>, vector<512x2048xf32>
    %select_n3A_97 = arith.select %eq3A_95, %add3A_26, %select_n3A_78 : vector<512x2048xi1>, vector<512x2048xf32>
    %jit3A_98 = arith.constant 0x7F800000 : f32
    %broadcast_in_dim3A_99 = vector.broadcast %jit3A_98 : f32 to vector<512x2048xf32>
    %select_n3A_100 = arith.select %eq3A_95, %broadcast_in_dim3A_99, %select_n3A_81 : vector<512x2048xi1>, vector<512x2048xf32>
    %reduce_min3A_101 = arith.constant dense<0x7F800000> : vector<2048xf32>
    %reduce_min3A_102 = vector.multi_reduction <minimumf>, %select_n3A_96, %reduce_min3A_101 [0] : vector<512x2048xf32> to vector<2048xf32>
    %broadcast_in_dim3A_103 = vector.shape_cast %reduce_min3A_102 : vector<2048xf32> to vector<1x2048xf32>
    %eq3A_104 = vector.broadcast %broadcast_in_dim3A_103 : vector<1x2048xf32> to vector<512x2048xf32>
    %eq3A_105 = arith.cmpf oeq, %select_n3A_96, %eq3A_104 : vector<512x2048xf32>
    %jit3A_106 = arith.constant 1.024000e+03 : f32
    %broadcast_in_dim3A_107 = vector.broadcast %jit3A_106 : f32 to vector<512x2048xf32>
    %select_n3A_108 = arith.select %eq3A_105, %select_n3A_97, %broadcast_in_dim3A_107 : vector<512x2048xi1>, vector<512x2048xf32>
    %reduce_min3A_109 = arith.constant dense<0x7F800000> : vector<2048xf32>
    %reduce_min3A_110 = vector.multi_reduction <minimumf>, %select_n3A_108, %reduce_min3A_109 [0] : vector<512x2048xf32> to vector<2048xf32>
    %broadcast_in_dim3A_111 = vector.shape_cast %reduce_min3A_110 : vector<2048xf32> to vector<1x2048xf32>
    %convert_element_type3A_112 = arith.fptosi %broadcast_in_dim3A_111 : vector<1x2048xf32> to vector<1x2048xi32>
    %eq3A_113 = vector.broadcast %broadcast_in_dim3A_111 : vector<1x2048xf32> to vector<512x2048xf32>
    %eq3A_114 = arith.cmpf oeq, %select_n3A_97, %eq3A_113 : vector<512x2048xf32>
    %select_n3A_115 = arith.select %eq3A_114, %select_n3A_100, %select_n3A_96 : vector<512x2048xi1>, vector<512x2048xf32>
    %select_n3A_116 = arith.select %eq3A_114, %add3A_26, %select_n3A_97 : vector<512x2048xi1>, vector<512x2048xf32>
    %jit3A_117 = arith.constant 0x7F800000 : f32
    %broadcast_in_dim3A_118 = vector.broadcast %jit3A_117 : f32 to vector<512x2048xf32>
    %select_n3A_119 = arith.select %eq3A_114, %broadcast_in_dim3A_118, %select_n3A_100 : vector<512x2048xi1>, vector<512x2048xf32>
    %reduce_min3A_120 = arith.constant dense<0x7F800000> : vector<2048xf32>
    %reduce_min3A_121 = vector.multi_reduction <minimumf>, %select_n3A_115, %reduce_min3A_120 [0] : vector<512x2048xf32> to vector<2048xf32>
    %broadcast_in_dim3A_122 = vector.shape_cast %reduce_min3A_121 : vector<2048xf32> to vector<1x2048xf32>
    %eq3A_123 = vector.broadcast %broadcast_in_dim3A_122 : vector<1x2048xf32> to vector<512x2048xf32>
    %eq3A_124 = arith.cmpf oeq, %select_n3A_115, %eq3A_123 : vector<512x2048xf32>
    %jit3A_125 = arith.constant 1.024000e+03 : f32
    %broadcast_in_dim3A_126 = vector.broadcast %jit3A_125 : f32 to vector<512x2048xf32>
    %select_n3A_127 = arith.select %eq3A_124, %select_n3A_116, %broadcast_in_dim3A_126 : vector<512x2048xi1>, vector<512x2048xf32>
    %reduce_min3A_128 = arith.constant dense<0x7F800000> : vector<2048xf32>
    %reduce_min3A_129 = vector.multi_reduction <minimumf>, %select_n3A_127, %reduce_min3A_128 [0] : vector<512x2048xf32> to vector<2048xf32>
    %broadcast_in_dim3A_130 = vector.shape_cast %reduce_min3A_129 : vector<2048xf32> to vector<1x2048xf32>
    %convert_element_type3A_131 = arith.fptosi %broadcast_in_dim3A_130 : vector<1x2048xf32> to vector<1x2048xi32>
    %eq3A_132 = vector.broadcast %broadcast_in_dim3A_130 : vector<1x2048xf32> to vector<512x2048xf32>
    %eq3A_133 = arith.cmpf oeq, %select_n3A_116, %eq3A_132 : vector<512x2048xf32>
    %select_n3A_134 = arith.select %eq3A_133, %select_n3A_119, %select_n3A_115 : vector<512x2048xi1>, vector<512x2048xf32>
    %select_n3A_135 = arith.select %eq3A_133, %add3A_26, %select_n3A_116 : vector<512x2048xi1>, vector<512x2048xf32>
    %jit3A_136 = arith.constant 0x7F800000 : f32
    %broadcast_in_dim3A_137 = vector.broadcast %jit3A_136 : f32 to vector<512x2048xf32>
    %select_n3A_138 = arith.select %eq3A_133, %broadcast_in_dim3A_137, %select_n3A_119 : vector<512x2048xi1>, vector<512x2048xf32>
    %reduce_min3A_139 = arith.constant dense<0x7F800000> : vector<2048xf32>
    %reduce_min3A_140 = vector.multi_reduction <minimumf>, %select_n3A_134, %reduce_min3A_139 [0] : vector<512x2048xf32> to vector<2048xf32>
    %broadcast_in_dim3A_141 = vector.shape_cast %reduce_min3A_140 : vector<2048xf32> to vector<1x2048xf32>
    %eq3A_142 = vector.broadcast %broadcast_in_dim3A_141 : vector<1x2048xf32> to vector<512x2048xf32>
    %eq3A_143 = arith.cmpf oeq, %select_n3A_134, %eq3A_142 : vector<512x2048xf32>
    %jit3A_144 = arith.constant 1.024000e+03 : f32
    %broadcast_in_dim3A_145 = vector.broadcast %jit3A_144 : f32 to vector<512x2048xf32>
    %select_n3A_146 = arith.select %eq3A_143, %select_n3A_135, %broadcast_in_dim3A_145 : vector<512x2048xi1>, vector<512x2048xf32>
    %reduce_min3A_147 = arith.constant dense<0x7F800000> : vector<2048xf32>
    %reduce_min3A_148 = vector.multi_reduction <minimumf>, %select_n3A_146, %reduce_min3A_147 [0] : vector<512x2048xf32> to vector<2048xf32>
    %broadcast_in_dim3A_149 = vector.shape_cast %reduce_min3A_148 : vector<2048xf32> to vector<1x2048xf32>
    %convert_element_type3A_150 = arith.fptosi %broadcast_in_dim3A_149 : vector<1x2048xf32> to vector<1x2048xi32>
    %eq3A_151 = vector.broadcast %broadcast_in_dim3A_149 : vector<1x2048xf32> to vector<512x2048xf32>
    %eq3A_152 = arith.cmpf oeq, %select_n3A_135, %eq3A_151 : vector<512x2048xf32>
    %select_n3A_153 = arith.select %eq3A_152, %select_n3A_138, %select_n3A_134 : vector<512x2048xi1>, vector<512x2048xf32>
    %select_n3A_154 = arith.select %eq3A_152, %add3A_26, %select_n3A_135 : vector<512x2048xi1>, vector<512x2048xf32>
    %reduce_min3A_155 = arith.constant dense<0x7F800000> : vector<2048xf32>
    %reduce_min3A_156 = vector.multi_reduction <minimumf>, %select_n3A_153, %reduce_min3A_155 [0] : vector<512x2048xf32> to vector<2048xf32>
    %broadcast_in_dim3A_157 = vector.shape_cast %reduce_min3A_156 : vector<2048xf32> to vector<1x2048xf32>
    %eq3A_158 = vector.broadcast %broadcast_in_dim3A_157 : vector<1x2048xf32> to vector<512x2048xf32>
    %eq3A_159 = arith.cmpf oeq, %select_n3A_153, %eq3A_158 : vector<512x2048xf32>
    %jit3A_160 = arith.constant 1.024000e+03 : f32
    %broadcast_in_dim3A_161 = vector.broadcast %jit3A_160 : f32 to vector<512x2048xf32>
    %select_n3A_162 = arith.select %eq3A_159, %select_n3A_154, %broadcast_in_dim3A_161 : vector<512x2048xi1>, vector<512x2048xf32>
    %reduce_min3A_163 = arith.constant dense<0x7F800000> : vector<2048xf32>
    %reduce_min3A_164 = vector.multi_reduction <minimumf>, %select_n3A_162, %reduce_min3A_163 [0] : vector<512x2048xf32> to vector<2048xf32>
    %broadcast_in_dim3A_165 = vector.shape_cast %reduce_min3A_164 : vector<2048xf32> to vector<1x2048xf32>
    %convert_element_type3A_166 = arith.fptosi %broadcast_in_dim3A_165 : vector<1x2048xf32> to vector<1x2048xi32>
    %concatenate3A = tpu.concatenate %broadcast_in_dim3A_28, %broadcast_in_dim3A_46, %broadcast_in_dim3A_65, %broadcast_in_dim3A_84, %broadcast_in_dim3A_103, %broadcast_in_dim3A_122, %broadcast_in_dim3A_141, %broadcast_in_dim3A_157 in 0 : vector<1x2048xf32>, vector<1x2048xf32>, vector<1x2048xf32>, vector<1x2048xf32>, vector<1x2048xf32>, vector<1x2048xf32>, vector<1x2048xf32>, vector<1x2048xf32> -> vector<8x2048xf32>
    %mul3A_167 = arith.constant 8 : i32
    %mul3A_168 = arith.muli %arg0, %mul3A_167 : i32
    %swap3A = arith.index_cast %mul3A_168 : i32 to index
    %swap3A_169 = arith.constant 0 : index
    %swap3A_170 = vector.load %arg5[%swap3A, %swap3A_169] : memref<512x2048xf32, #tpu.memory_space<vmem>>, vector<8x2048xf32>
    tpu.vector_store %arg5[%swap3A, %swap3A_169], %concatenate3A {strides = array<i32>} : memref<512x2048xf32, #tpu.memory_space<vmem>>, vector<8x2048xf32>,
    %concatenate3A_171 = tpu.concatenate %convert_element_type3A_36, %convert_element_type3A_55, %convert_element_type3A_74, %convert_element_type3A_93, %convert_element_type3A_112, %convert_element_type3A_131, %convert_element_type3A_150, %convert_element_type3A_166 in 0 : vector<1x2048xi32>, vector<1x2048xi32>, vector<1x2048xi32>, vector<1x2048xi32>, vector<1x2048xi32>, vector<1x2048xi32>, vector<1x2048xi32>, vector<1x2048xi32> -> vector<8x2048xi32>
    %mul3A_172 = arith.constant 1024 : i32
    %mul3A_173 = arith.muli %arg0, %mul3A_172 : i32
    %add3A_174 = vector.broadcast %mul3A_173 : i32 to vector<8x2048xi32>
    %add3A_175 = arith.addi %concatenate3A_171, %add3A_174 : vector<8x2048xi32>
    %mul3A_176 = arith.constant 8 : i32
    %mul3A_177 = arith.muli %arg0, %mul3A_176 : i32
    %swap3A_178 = arith.index_cast %mul3A_177 : i32 to index
    %swap3A_179 = arith.constant 0 : index
    %swap3A_180 = vector.load %arg6[%swap3A_178, %swap3A_179] : memref<512x2048xi32, #tpu.memory_space<vmem>>, vector<8x2048xi32>
    tpu.vector_store %arg6[%swap3A_178, %swap3A_179], %add3A_175 {strides = array<i32>} : memref<512x2048xi32, #tpu.memory_space<vmem>>, vector<8x2048xi32>,
    %eq3A_181 = arith.constant 63 : i32
    %eq3A_182 = arith.cmpi eq, %arg0, %eq3A_181 : i32
    %convert_element_type3A_183 = arith.extui %eq3A_182 : i1 to i32
    %cond3A = arith.constant 0 : i32
    %cond3A_184 = arith.cmpi ne, %convert_element_type3A_183, %cond3A : i32
    scf.if %cond3A_184 {
      %get3A_185 = arith.constant 0 : index
      %get3A_186 = arith.constant 0 : index
      %get3A_187 = vector.load %arg5[%get3A_185, %get3A_186] : memref<512x2048xf32, #tpu.memory_space<vmem>>, vector<512x2048xf32>
      %get3A_188 = arith.constant 0 : index
      %get3A_189 = arith.constant 0 : index
      %get3A_190 = vector.load %arg6[%get3A_188, %get3A_189] : memref<512x2048xi32, #tpu.memory_space<vmem>>, vector<512x2048xi32>
      %iota3A_191 = tpu.iota {dimensions = array<i32: 0>} : vector<512x2048xi32>
      %convert_element_type3A_192 = arith.sitofp %iota3A_191 : vector<512x2048xi32> to vector<512x2048xf32>
      %reduce_min3A_193 = arith.constant dense<0x7F800000> : vector<2048xf32>
      %reduce_min3A_194 = vector.multi_reduction <minimumf>, %get3A_187, %reduce_min3A_193 [0] : vector<512x2048xf32> to vector<2048xf32>
      %broadcast_in_dim3A_195 = vector.shape_cast %reduce_min3A_194 : vector<2048xf32> to vector<1x2048xf32>
      %eq3A_196 = vector.broadcast %broadcast_in_dim3A_195 : vector<1x2048xf32> to vector<512x2048xf32>
      %eq3A_197 = arith.cmpf oeq, %get3A_187, %eq3A_196 : vector<512x2048xf32>
      %jit3A_198 = arith.constant 5.120000e+02 : f32
      %broadcast_in_dim3A_199 = vector.broadcast %jit3A_198 : f32 to vector<512x2048xf32>
      %select_n3A_200 = arith.select %eq3A_197, %convert_element_type3A_192, %broadcast_in_dim3A_199 : vector<512x2048xi1>, vector<512x2048xf32>
      %reduce_min3A_201 = arith.constant dense<0x7F800000> : vector<2048xf32>
      %reduce_min3A_202 = vector.multi_reduction <minimumf>, %select_n3A_200, %reduce_min3A_201 [0] : vector<512x2048xf32> to vector<2048xf32>
      %broadcast_in_dim3A_203 = vector.shape_cast %reduce_min3A_202 : vector<2048xf32> to vector<1x2048xf32>
      %eq3A_204 = vector.broadcast %broadcast_in_dim3A_203 : vector<1x2048xf32> to vector<512x2048xf32>
      %eq3A_205 = arith.cmpf oeq, %convert_element_type3A_192, %eq3A_204 : vector<512x2048xf32>
      %jit3A_206 = arith.constant 0 : i32
      %broadcast_in_dim3A_207 = vector.broadcast %jit3A_206 : i32 to vector<512x2048xi32>
      %select_n3A_208 = arith.select %eq3A_205, %get3A_190, %broadcast_in_dim3A_207 : vector<512x2048xi1>, vector<512x2048xi32>
      %reduce_sum3A_209 = arith.constant dense<0> : vector<2048xi32>
      %reduce_sum3A_210 = vector.multi_reduction <add>, %select_n3A_208, %reduce_sum3A_209 [0] : vector<512x2048xi32> to vector<2048xi32>
      %broadcast_in_dim3A_211 = vector.shape_cast %reduce_sum3A_210 : vector<2048xi32> to vector<1x2048xi32>
      %jit3A_212 = arith.constant 0x7F800000 : f32
      %broadcast_in_dim3A_213 = vector.broadcast %jit3A_212 : f32 to vector<512x2048xf32>
      %select_n3A_214 = arith.select %eq3A_205, %broadcast_in_dim3A_213, %get3A_187 : vector<512x2048xi1>, vector<512x2048xf32>
      %reduce_min3A_215 = arith.constant dense<0x7F800000> : vector<2048xf32>
      %reduce_min3A_216 = vector.multi_reduction <minimumf>, %select_n3A_214, %reduce_min3A_215 [0] : vector<512x2048xf32> to vector<2048xf32>
      %broadcast_in_dim3A_217 = vector.shape_cast %reduce_min3A_216 : vector<2048xf32> to vector<1x2048xf32>
      %eq3A_218 = vector.broadcast %broadcast_in_dim3A_217 : vector<1x2048xf32> to vector<512x2048xf32>
      %eq3A_219 = arith.cmpf oeq, %select_n3A_214, %eq3A_218 : vector<512x2048xf32>
      %jit3A_220 = arith.constant 5.120000e+02 : f32
      %broadcast_in_dim3A_221 = vector.broadcast %jit3A_220 : f32 to vector<512x2048xf32>
      %select_n3A_222 = arith.select %eq3A_219, %convert_element_type3A_192, %broadcast_in_dim3A_221 : vector<512x2048xi1>, vector<512x2048xf32>
      %reduce_min3A_223 = arith.constant dense<0x7F800000> : vector<2048xf32>
      %reduce_min3A_224 = vector.multi_reduction <minimumf>, %select_n3A_222, %reduce_min3A_223 [0] : vector<512x2048xf32> to vector<2048xf32>
      %broadcast_in_dim3A_225 = vector.shape_cast %reduce_min3A_224 : vector<2048xf32> to vector<1x2048xf32>
      %eq3A_226 = vector.broadcast %broadcast_in_dim3A_225 : vector<1x2048xf32> to vector<512x2048xf32>
      %eq3A_227 = arith.cmpf oeq, %convert_element_type3A_192, %eq3A_226 : vector<512x2048xf32>
      %jit3A_228 = arith.constant 0 : i32
      %broadcast_in_dim3A_229 = vector.broadcast %jit3A_228 : i32 to vector<512x2048xi32>
      %select_n3A_230 = arith.select %eq3A_227, %get3A_190, %broadcast_in_dim3A_229 : vector<512x2048xi1>, vector<512x2048xi32>
      %reduce_sum3A_231 = arith.constant dense<0> : vector<2048xi32>
      %reduce_sum3A_232 = vector.multi_reduction <add>, %select_n3A_230, %reduce_sum3A_231 [0] : vector<512x2048xi32> to vector<2048xi32>
      %broadcast_in_dim3A_233 = vector.shape_cast %reduce_sum3A_232 : vector<2048xi32> to vector<1x2048xi32>
      %jit3A_234 = arith.constant 0x7F800000 : f32
      %broadcast_in_dim3A_235 = vector.broadcast %jit3A_234 : f32 to vector<512x2048xf32>
      %select_n3A_236 = arith.select %eq3A_227, %broadcast_in_dim3A_235, %select_n3A_214 : vector<512x2048xi1>, vector<512x2048xf32>
      %reduce_min3A_237 = arith.constant dense<0x7F800000> : vector<2048xf32>
      %reduce_min3A_238 = vector.multi_reduction <minimumf>, %select_n3A_236, %reduce_min3A_237 [0] : vector<512x2048xf32> to vector<2048xf32>
      %broadcast_in_dim3A_239 = vector.shape_cast %reduce_min3A_238 : vector<2048xf32> to vector<1x2048xf32>
      %eq3A_240 = vector.broadcast %broadcast_in_dim3A_239 : vector<1x2048xf32> to vector<512x2048xf32>
      %eq3A_241 = arith.cmpf oeq, %select_n3A_236, %eq3A_240 : vector<512x2048xf32>
      %jit3A_242 = arith.constant 5.120000e+02 : f32
      %broadcast_in_dim3A_243 = vector.broadcast %jit3A_242 : f32 to vector<512x2048xf32>
      %select_n3A_244 = arith.select %eq3A_241, %convert_element_type3A_192, %broadcast_in_dim3A_243 : vector<512x2048xi1>, vector<512x2048xf32>
      %reduce_min3A_245 = arith.constant dense<0x7F800000> : vector<2048xf32>
      %reduce_min3A_246 = vector.multi_reduction <minimumf>, %select_n3A_244, %reduce_min3A_245 [0] : vector<512x2048xf32> to vector<2048xf32>
      %broadcast_in_dim3A_247 = vector.shape_cast %reduce_min3A_246 : vector<2048xf32> to vector<1x2048xf32>
      %eq3A_248 = vector.broadcast %broadcast_in_dim3A_247 : vector<1x2048xf32> to vector<512x2048xf32>
      %eq3A_249 = arith.cmpf oeq, %convert_element_type3A_192, %eq3A_248 : vector<512x2048xf32>
      %jit3A_250 = arith.constant 0 : i32
      %broadcast_in_dim3A_251 = vector.broadcast %jit3A_250 : i32 to vector<512x2048xi32>
      %select_n3A_252 = arith.select %eq3A_249, %get3A_190, %broadcast_in_dim3A_251 : vector<512x2048xi1>, vector<512x2048xi32>
      %reduce_sum3A_253 = arith.constant dense<0> : vector<2048xi32>
      %reduce_sum3A_254 = vector.multi_reduction <add>, %select_n3A_252, %reduce_sum3A_253 [0] : vector<512x2048xi32> to vector<2048xi32>
      %broadcast_in_dim3A_255 = vector.shape_cast %reduce_sum3A_254 : vector<2048xi32> to vector<1x2048xi32>
      %jit3A_256 = arith.constant 0x7F800000 : f32
      %broadcast_in_dim3A_257 = vector.broadcast %jit3A_256 : f32 to vector<512x2048xf32>
      %select_n3A_258 = arith.select %eq3A_249, %broadcast_in_dim3A_257, %select_n3A_236 : vector<512x2048xi1>, vector<512x2048xf32>
      %reduce_min3A_259 = arith.constant dense<0x7F800000> : vector<2048xf32>
      %reduce_min3A_260 = vector.multi_reduction <minimumf>, %select_n3A_258, %reduce_min3A_259 [0] : vector<512x2048xf32> to vector<2048xf32>
      %broadcast_in_dim3A_261 = vector.shape_cast %reduce_min3A_260 : vector<2048xf32> to vector<1x2048xf32>
      %eq3A_262 = vector.broadcast %broadcast_in_dim3A_261 : vector<1x2048xf32> to vector<512x2048xf32>
      %eq3A_263 = arith.cmpf oeq, %select_n3A_258, %eq3A_262 : vector<512x2048xf32>
      %jit3A_264 = arith.constant 5.120000e+02 : f32
      %broadcast_in_dim3A_265 = vector.broadcast %jit3A_264 : f32 to vector<512x2048xf32>
      %select_n3A_266 = arith.select %eq3A_263, %convert_element_type3A_192, %broadcast_in_dim3A_265 : vector<512x2048xi1>, vector<512x2048xf32>
      %reduce_min3A_267 = arith.constant dense<0x7F800000> : vector<2048xf32>
      %reduce_min3A_268 = vector.multi_reduction <minimumf>, %select_n3A_266, %reduce_min3A_267 [0] : vector<512x2048xf32> to vector<2048xf32>
      %broadcast_in_dim3A_269 = vector.shape_cast %reduce_min3A_268 : vector<2048xf32> to vector<1x2048xf32>
      %eq3A_270 = vector.broadcast %broadcast_in_dim3A_269 : vector<1x2048xf32> to vector<512x2048xf32>
      %eq3A_271 = arith.cmpf oeq, %convert_element_type3A_192, %eq3A_270 : vector<512x2048xf32>
      %jit3A_272 = arith.constant 0 : i32
      %broadcast_in_dim3A_273 = vector.broadcast %jit3A_272 : i32 to vector<512x2048xi32>
      %select_n3A_274 = arith.select %eq3A_271, %get3A_190, %broadcast_in_dim3A_273 : vector<512x2048xi1>, vector<512x2048xi32>
      %reduce_sum3A_275 = arith.constant dense<0> : vector<2048xi32>
      %reduce_sum3A_276 = vector.multi_reduction <add>, %select_n3A_274, %reduce_sum3A_275 [0] : vector<512x2048xi32> to vector<2048xi32>
      %broadcast_in_dim3A_277 = vector.shape_cast %reduce_sum3A_276 : vector<2048xi32> to vector<1x2048xi32>
      %jit3A_278 = arith.constant 0x7F800000 : f32
      %broadcast_in_dim3A_279 = vector.broadcast %jit3A_278 : f32 to vector<512x2048xf32>
      %select_n3A_280 = arith.select %eq3A_271, %broadcast_in_dim3A_279, %select_n3A_258 : vector<512x2048xi1>, vector<512x2048xf32>
      %reduce_min3A_281 = arith.constant dense<0x7F800000> : vector<2048xf32>
      %reduce_min3A_282 = vector.multi_reduction <minimumf>, %select_n3A_280, %reduce_min3A_281 [0] : vector<512x2048xf32> to vector<2048xf32>
      %broadcast_in_dim3A_283 = vector.shape_cast %reduce_min3A_282 : vector<2048xf32> to vector<1x2048xf32>
      %eq3A_284 = vector.broadcast %broadcast_in_dim3A_283 : vector<1x2048xf32> to vector<512x2048xf32>
      %eq3A_285 = arith.cmpf oeq, %select_n3A_280, %eq3A_284 : vector<512x2048xf32>
      %jit3A_286 = arith.constant 5.120000e+02 : f32
      %broadcast_in_dim3A_287 = vector.broadcast %jit3A_286 : f32 to vector<512x2048xf32>
      %select_n3A_288 = arith.select %eq3A_285, %convert_element_type3A_192, %broadcast_in_dim3A_287 : vector<512x2048xi1>, vector<512x2048xf32>
      %reduce_min3A_289 = arith.constant dense<0x7F800000> : vector<2048xf32>
      %reduce_min3A_290 = vector.multi_reduction <minimumf>, %select_n3A_288, %reduce_min3A_289 [0] : vector<512x2048xf32> to vector<2048xf32>
      %broadcast_in_dim3A_291 = vector.shape_cast %reduce_min3A_290 : vector<2048xf32> to vector<1x2048xf32>
      %eq3A_292 = vector.broadcast %broadcast_in_dim3A_291 : vector<1x2048xf32> to vector<512x2048xf32>
      %eq3A_293 = arith.cmpf oeq, %convert_element_type3A_192, %eq3A_292 : vector<512x2048xf32>
      %jit3A_294 = arith.constant 0 : i32
      %broadcast_in_dim3A_295 = vector.broadcast %jit3A_294 : i32 to vector<512x2048xi32>
      %select_n3A_296 = arith.select %eq3A_293, %get3A_190, %broadcast_in_dim3A_295 : vector<512x2048xi1>, vector<512x2048xi32>
      %reduce_sum3A_297 = arith.constant dense<0> : vector<2048xi32>
      %reduce_sum3A_298 = vector.multi_reduction <add>, %select_n3A_296, %reduce_sum3A_297 [0] : vector<512x2048xi32> to vector<2048xi32>
      %broadcast_in_dim3A_299 = vector.shape_cast %reduce_sum3A_298 : vector<2048xi32> to vector<1x2048xi32>
      %jit3A_300 = arith.constant 0x7F800000 : f32
      %broadcast_in_dim3A_301 = vector.broadcast %jit3A_300 : f32 to vector<512x2048xf32>
      %select_n3A_302 = arith.select %eq3A_293, %broadcast_in_dim3A_301, %select_n3A_280 : vector<512x2048xi1>, vector<512x2048xf32>
      %reduce_min3A_303 = arith.constant dense<0x7F800000> : vector<2048xf32>
      %reduce_min3A_304 = vector.multi_reduction <minimumf>, %select_n3A_302, %reduce_min3A_303 [0] : vector<512x2048xf32> to vector<2048xf32>
      %broadcast_in_dim3A_305 = vector.shape_cast %reduce_min3A_304 : vector<2048xf32> to vector<1x2048xf32>
      %eq3A_306 = vector.broadcast %broadcast_in_dim3A_305 : vector<1x2048xf32> to vector<512x2048xf32>
      %eq3A_307 = arith.cmpf oeq, %select_n3A_302, %eq3A_306 : vector<512x2048xf32>
      %jit3A_308 = arith.constant 5.120000e+02 : f32
      %broadcast_in_dim3A_309 = vector.broadcast %jit3A_308 : f32 to vector<512x2048xf32>
      %select_n3A_310 = arith.select %eq3A_307, %convert_element_type3A_192, %broadcast_in_dim3A_309 : vector<512x2048xi1>, vector<512x2048xf32>
      %reduce_min3A_311 = arith.constant dense<0x7F800000> : vector<2048xf32>
      %reduce_min3A_312 = vector.multi_reduction <minimumf>, %select_n3A_310, %reduce_min3A_311 [0] : vector<512x2048xf32> to vector<2048xf32>
      %broadcast_in_dim3A_313 = vector.shape_cast %reduce_min3A_312 : vector<2048xf32> to vector<1x2048xf32>
      %eq3A_314 = vector.broadcast %broadcast_in_dim3A_313 : vector<1x2048xf32> to vector<512x2048xf32>
      %eq3A_315 = arith.cmpf oeq, %convert_element_type3A_192, %eq3A_314 : vector<512x2048xf32>
      %jit3A_316 = arith.constant 0 : i32
      %broadcast_in_dim3A_317 = vector.broadcast %jit3A_316 : i32 to vector<512x2048xi32>
      %select_n3A_318 = arith.select %eq3A_315, %get3A_190, %broadcast_in_dim3A_317 : vector<512x2048xi1>, vector<512x2048xi32>
      %reduce_sum3A_319 = arith.constant dense<0> : vector<2048xi32>
      %reduce_sum3A_320 = vector.multi_reduction <add>, %select_n3A_318, %reduce_sum3A_319 [0] : vector<512x2048xi32> to vector<2048xi32>
      %broadcast_in_dim3A_321 = vector.shape_cast %reduce_sum3A_320 : vector<2048xi32> to vector<1x2048xi32>
      %jit3A_322 = arith.constant 0x7F800000 : f32
      %broadcast_in_dim3A_323 = vector.broadcast %jit3A_322 : f32 to vector<512x2048xf32>
      %select_n3A_324 = arith.select %eq3A_315, %broadcast_in_dim3A_323, %select_n3A_302 : vector<512x2048xi1>, vector<512x2048xf32>
      %reduce_min3A_325 = arith.constant dense<0x7F800000> : vector<2048xf32>
      %reduce_min3A_326 = vector.multi_reduction <minimumf>, %select_n3A_324, %reduce_min3A_325 [0] : vector<512x2048xf32> to vector<2048xf32>
      %broadcast_in_dim3A_327 = vector.shape_cast %reduce_min3A_326 : vector<2048xf32> to vector<1x2048xf32>
      %eq3A_328 = vector.broadcast %broadcast_in_dim3A_327 : vector<1x2048xf32> to vector<512x2048xf32>
      %eq3A_329 = arith.cmpf oeq, %select_n3A_324, %eq3A_328 : vector<512x2048xf32>
      %jit3A_330 = arith.constant 5.120000e+02 : f32
      %broadcast_in_dim3A_331 = vector.broadcast %jit3A_330 : f32 to vector<512x2048xf32>
      %select_n3A_332 = arith.select %eq3A_329, %convert_element_type3A_192, %broadcast_in_dim3A_331 : vector<512x2048xi1>, vector<512x2048xf32>
      %reduce_min3A_333 = arith.constant dense<0x7F800000> : vector<2048xf32>
      %reduce_min3A_334 = vector.multi_reduction <minimumf>, %select_n3A_332, %reduce_min3A_333 [0] : vector<512x2048xf32> to vector<2048xf32>
      %broadcast_in_dim3A_335 = vector.shape_cast %reduce_min3A_334 : vector<2048xf32> to vector<1x2048xf32>
      %eq3A_336 = vector.broadcast %broadcast_in_dim3A_335 : vector<1x2048xf32> to vector<512x2048xf32>
      %eq3A_337 = arith.cmpf oeq, %convert_element_type3A_192, %eq3A_336 : vector<512x2048xf32>
      %jit3A_338 = arith.constant 0 : i32
      %broadcast_in_dim3A_339 = vector.broadcast %jit3A_338 : i32 to vector<512x2048xi32>
      %select_n3A_340 = arith.select %eq3A_337, %get3A_190, %broadcast_in_dim3A_339 : vector<512x2048xi1>, vector<512x2048xi32>
      %reduce_sum3A_341 = arith.constant dense<0> : vector<2048xi32>
      %reduce_sum3A_342 = vector.multi_reduction <add>, %select_n3A_340, %reduce_sum3A_341 [0] : vector<512x2048xi32> to vector<2048xi32>
      %broadcast_in_dim3A_343 = vector.shape_cast %reduce_sum3A_342 : vector<2048xi32> to vector<1x2048xi32>
      %jit3A_344 = arith.constant 0x7F800000 : f32
      %broadcast_in_dim3A_345 = vector.broadcast %jit3A_344 : f32 to vector<512x2048xf32>
      %select_n3A_346 = arith.select %eq3A_337, %broadcast_in_dim3A_345, %select_n3A_324 : vector<512x2048xi1>, vector<512x2048xf32>
      %reduce_min3A_347 = arith.constant dense<0x7F800000> : vector<2048xf32>
      %reduce_min3A_348 = vector.multi_reduction <minimumf>, %select_n3A_346, %reduce_min3A_347 [0] : vector<512x2048xf32> to vector<2048xf32>
      %broadcast_in_dim3A_349 = vector.shape_cast %reduce_min3A_348 : vector<2048xf32> to vector<1x2048xf32>
      %eq3A_350 = vector.broadcast %broadcast_in_dim3A_349 : vector<1x2048xf32> to vector<512x2048xf32>
      %eq3A_351 = arith.cmpf oeq, %select_n3A_346, %eq3A_350 : vector<512x2048xf32>
      %jit3A_352 = arith.constant 5.120000e+02 : f32
      %broadcast_in_dim3A_353 = vector.broadcast %jit3A_352 : f32 to vector<512x2048xf32>
      %select_n3A_354 = arith.select %eq3A_351, %convert_element_type3A_192, %broadcast_in_dim3A_353 : vector<512x2048xi1>, vector<512x2048xf32>
      %reduce_min3A_355 = arith.constant dense<0x7F800000> : vector<2048xf32>
      %reduce_min3A_356 = vector.multi_reduction <minimumf>, %select_n3A_354, %reduce_min3A_355 [0] : vector<512x2048xf32> to vector<2048xf32>
      %broadcast_in_dim3A_357 = vector.shape_cast %reduce_min3A_356 : vector<2048xf32> to vector<1x2048xf32>
      %eq3A_358 = vector.broadcast %broadcast_in_dim3A_357 : vector<1x2048xf32> to vector<512x2048xf32>
      %eq3A_359 = arith.cmpf oeq, %convert_element_type3A_192, %eq3A_358 : vector<512x2048xf32>
      %jit3A_360 = arith.constant 0 : i32
      %broadcast_in_dim3A_361 = vector.broadcast %jit3A_360 : i32 to vector<512x2048xi32>
      %select_n3A_362 = arith.select %eq3A_359, %get3A_190, %broadcast_in_dim3A_361 : vector<512x2048xi1>, vector<512x2048xi32>
      %reduce_sum3A_363 = arith.constant dense<0> : vector<2048xi32>
      %reduce_sum3A_364 = vector.multi_reduction <add>, %select_n3A_362, %reduce_sum3A_363 [0] : vector<512x2048xi32> to vector<2048xi32>
      %broadcast_in_dim3A_365 = vector.shape_cast %reduce_sum3A_364 : vector<2048xi32> to vector<1x2048xi32>
      %concatenate3A_366 = tpu.concatenate %broadcast_in_dim3A_195, %broadcast_in_dim3A_217, %broadcast_in_dim3A_239, %broadcast_in_dim3A_261, %broadcast_in_dim3A_283, %broadcast_in_dim3A_305, %broadcast_in_dim3A_327, %broadcast_in_dim3A_349 in 0 : vector<1x2048xf32>, vector<1x2048xf32>, vector<1x2048xf32>, vector<1x2048xf32>, vector<1x2048xf32>, vector<1x2048xf32>, vector<1x2048xf32>, vector<1x2048xf32> -> vector<8x2048xf32>
      %max3A = arith.constant 9.99999996E-13 : f32
      %max3A_367 = vector.broadcast %max3A : f32 to vector<8x2048xf32>
      %max3A_368 = arith.maximumf %concatenate3A_366, %max3A_367 : vector<8x2048xf32>
      %sqrt3A = math.sqrt %max3A_368 : vector<8x2048xf32>
      %reduce_max3A = vector.shape_cast %sqrt3A : vector<8x2048xf32> to vector<1x8x2048xf32>
      %reduce_max3A_369 = arith.constant dense<0xFF800000> : vector<1xf32>
      %reduce_max3A_370 = vector.multi_reduction <maximumf>, %reduce_max3A, %reduce_max3A_369 [1, 2] : vector<1x8x2048xf32> to vector<1xf32>
      %reduce_max3A_371 = vector.shape_cast %reduce_max3A_370 : vector<1xf32> to vector<1x1x1xf32>
      %reduce_max3A_372 = vector.extract %reduce_max3A_371[0, 0, 0] : f32 from vector<1x1x1xf32>
      %square3A = arith.mulf %reduce_max3A_372, %reduce_max3A_372 : f32
      %div3A = arith.constant 9.000000e+00 : f32
      %div3A_373 = arith.divf %square3A, %div3A : f32
      %square3A_374 = arith.mulf %sqrt3A, %sqrt3A : vector<8x2048xf32>
      %neg3A = arith.constant 0.000000e+00 : f32
      %neg3A_375 = vector.broadcast %neg3A : f32 to vector<8x2048xf32>
      %neg3A_376 = arith.subf %neg3A_375, %square3A_374 : vector<8x2048xf32>
      %mul3A_377 = arith.constant 2.000000e+00 : f32
      %mul3A_378 = arith.mulf %mul3A_377, %div3A_373 : f32
      %div3A_379 = vector.broadcast %mul3A_378 : f32 to vector<8x2048xf32>
      %div3A_380 = arith.divf %neg3A_376, %div3A_379 : vector<8x2048xf32>
      %exp3A = math.exp %div3A_380 : vector<8x2048xf32>
      %reduce_sum3A_381 = arith.constant dense<0.000000e+00> : vector<2048xf32>
      %reduce_sum3A_382 = vector.multi_reduction <add>, %exp3A, %reduce_sum3A_381 [0] : vector<8x2048xf32> to vector<2048xf32>
      %broadcast_in_dim3A_383 = vector.shape_cast %reduce_sum3A_382 : vector<2048xf32> to vector<1x2048xf32>
      %div3A_384 = vector.broadcast %broadcast_in_dim3A_383 : vector<1x2048xf32> to vector<8x2048xf32>
      %div3A_385 = arith.divf %exp3A, %div3A_384 : vector<8x2048xf32>
      %swap3A_386 = arith.constant 0 : index
      %swap3A_387 = arith.constant 0 : index
      %swap3A_388 = vector.load %arg3[%swap3A_386, %swap3A_387] : memref<8x2048xf32, #tpu.memory_space<vmem>>, vector<8x2048xf32>
      tpu.vector_store %arg3[%swap3A_386, %swap3A_387], %div3A_385 {strides = array<i32>} : memref<8x2048xf32, #tpu.memory_space<vmem>>, vector<8x2048xf32>,
      %concatenate3A_389 = tpu.concatenate %broadcast_in_dim3A_211, %broadcast_in_dim3A_233, %broadcast_in_dim3A_255, %broadcast_in_dim3A_277, %broadcast_in_dim3A_299, %broadcast_in_dim3A_321, %broadcast_in_dim3A_343, %broadcast_in_dim3A_365 in 0 : vector<1x2048xi32>, vector<1x2048xi32>, vector<1x2048xi32>, vector<1x2048xi32>, vector<1x2048xi32>, vector<1x2048xi32>, vector<1x2048xi32>, vector<1x2048xi32> -> vector<8x2048xi32>
      %swap3A_390 = arith.constant 0 : index
      %swap3A_391 = arith.constant 0 : index
      %swap3A_392 = vector.load %arg4[%swap3A_390, %swap3A_391] : memref<8x2048xi32, #tpu.memory_space<vmem>>, vector<8x2048xi32>
      tpu.vector_store %arg4[%swap3A_390, %swap3A_391], %concatenate3A_389 {strides = array<i32>} : memref<8x2048xi32, #tpu.memory_space<vmem>>, vector<8x2048xi32>,
    } else {
    }
    return
  }
  func.func @transform_0(%arg0: i32) -> (i32, i32) {
    %c0_i32 = arith.constant 0 : i32
    %c0_i32_0 = arith.constant 0 : i32
    return %arg0, %c0_i32 : i32, i32
  }
  func.func @transform_1(%arg0: i32) -> (i32, i32) {
    %c0_i32 = arith.constant 0 : i32
    %c0_i32_0 = arith.constant 0 : i32
    %c0_i32_1 = arith.constant 0 : i32
    return %c0_i32, %c0_i32_0 : i32, i32
  }
  func.func @transform_2(%arg0: i32) -> (i32, i32) {
    %c0_i32 = arith.constant 0 : i32
    %c0_i32_0 = arith.constant 0 : i32
    %c0_i32_1 = arith.constant 0 : i32
    return %c0_i32, %c0_i32_0 : i32, i32
  }
  func.func @transform_3(%arg0: i32) -> (i32, i32) {
    %c0_i32 = arith.constant 0 : i32
    %c0_i32_0 = arith.constant 0 : i32
    %c0_i32_1 = arith.constant 0 : i32
    return %c0_i32, %c0_i32_0 : i32, i32
  }
}

</mosaic_0001>

<sc_bundles>
// kernel: kernel.4.cloned.1.call-start
scs
__scs_entry_jumppad:
0x0: {  	(pc) =	sbr.rel $0x88, $3  }
0x1: {  	(tag) =	ssettag $0x0;
	lr =	simm.s32 $0x1  }
0x2: {  	[smem:$0x3F9E] =	sst lr;
	_ =	strace $0xD0000000  }
0x3: {  	_ = 	snop  }
0x4: {  	_ = 	snop  }
0x5: {  	_ = 	snop  }
0x6: {  	_ = 	snop  }
0x7: {  	_ = 	snop  }
__scs_overlays_trampoline_lowered:
0x8: {  	[smem:$0x3FAD] =	sst s0  }
0x9: {  	[smem:$0x3FAE] =	sst s1  }
0xa: {  	[smem:$0x3FAF] =	sst s2  }
0xb: {  	[smem:$0x3FB0] =	sst s3  }
0xc: {  	[smem:$0x3FB1] =	sst s4  }
0xd: {  	[smem:$0x3FB2] =	sst s5  }
0xe: {  	[smem:$0x3FB3] =	sst s6  }
0xf: {  	[smem:$0x3FB4] =	sst s7  }
0x10: {  	[smem:$0x3FB5] =	sst s8  }
0x11: {  	[smem:$0x3FB6] =	sst s9;
	s0 =	simm.s32 @!p0 $0x0  }
0x12: {  	s1 =	sld [smem:$0x3F9C];
	s0 =	simm.s32 @p0 $0x1  }
0x13: {  	[smem:$0x3FB7] =	sst s0;
	s0 =	simm.s32 @!p1 $0x0  }
0x14: {  	s2 =	sld [smem:$0x3F9B];
	s0 =	simm.s32 @p1 $0x1  }
0x15: {  	[smem:$0x3FB8] =	sst s0;
	s0 =	simm.s32 @!p2 $0x0  }
0x16: {  	s3 =	sld [smem:$0x3FDB];
	s0 =	simm.s32 @p2 $0x1  }
0x17: {  	s4 =	simm.s32 $0x1BF5;
	[smem:$0x3FBA] =	sst s0  }
0x18: {  	s0 =	sld [smem:$0x3F9D];
	_ =	swait.ge [sflag:s4], $0x0  }
0x19: {  	s7 =	sld [smem:$0x3F9E]  }
0x1a: {  	s8 =	sadd.s32 $0xFFFFE003, lr  }
0x1b: {  	s9 =	sadd.s32 $0xFFFFFEF7, lr;
	s5 =	simm.s32 $0xFFFFFFFF;
	p2 =	slt.u32 s8, $0xFFFFF086  }
0x1c: {  	p1 =	slt.u32 s9, $0xF7A;
	s5 =	simm.s32 @!p2 $0x0  }
0x1d: {  	s5 =	simm.s32 @p1 $0x1;
	p0 =	seq.s32 s7, s2  }
0x1e: {  	s7 =	smul.u32 @!p0 $0xF7A, s2;
	p2 =	seq.s32 @!p0 s5, $0x0  }
0x1f: {  	s9 =	smul.u32 $0xF7A, s1;
	s8 =	simm.s32 @!p0 $0x1BF5;
	p2 =	por !p2, p0  }
0x20: {  	[sflag:s8] =	ssyncset.s32 @!p0 $0xFFFFF086;
	s6 =	sadd.s32 @!p0 s3, s7;
	s7 =	simm.s32 @!p0 $0x108  }
0x21: {  	s3 =	sadd.s32 s3, s9;
	s6 =	sadd.s32 @!p0 $0x88, s6;
	s7 =	simm.s32 @p2 $0x1082  }
0x22: {  	[simem:s7], [sflag:s8] =	dma.local @!p0 [hbm:s6], $0xF7A  }
0x23: {  	s9 =	sor.u32 $0xD0000000, s2;
	s6 =	simm.s32 $0x108;
	_ =	swait.ge @!p0 [sflag:s8], $0x0  }
0x24: {  	s3 =	sadd.s32 $0x88, s3;
	s6 =	simm.s32 @!p1 $0x1082;
	[sflag:s4] =	ssyncset.s32 $0xFFFFF086  }
0x25: {  	[simem:s6], [sflag:s4] =	dma.local [hbm:s3], $0xF7A  }
0x26: {  	[smem:$0x3F9E] =	sst s1;
	(tag) =	ssettag s2;
	_ =	strace s9  }
0x27: {  	s1 =	sld [smem:$0x3FAE]  }
0x28: {  	s2 =	sld [smem:$0x3FAF]  }
0x29: {  	s4 =	sld [smem:$0x3FB1]  }
0x2a: {  	p0 =	seq.s32 s5, $0x0;
	s5 =	sld [smem:$0x3FB2]  }
0x2b: {  	s6 =	sld [smem:$0x3FB3]  }
0x2c: {  	s7 =	sld [smem:$0x3FB4]  }
0x2d: {  	s3 =	simm.s32 $0x108;
	s8 =	sld [smem:$0x3FB5]  }
0x2e: {  	s3 =	simm.s32 @!p0 $0x1082;
	s9 =	sld [smem:$0x3FB6]  }
0x2f: {  	lr =	sadd.s32 s0, s3;
	s0 =	sld [smem:$0x3FAD]  }
0x30: {  	s3 =	sld [smem:$0x3FB0]  }
0x31: {  	[smem:$0x3FB9] =	sst s10  }
0x32: {  	s10 =	sld [smem:$0x3FB7];
	_ =	sdelay $0x3  }
0x33: {  	p0 =	seq.s32 s10, $0x1;
	s10 =	sld [smem:$0x3FB9];
	_ =	sdelay $0x3  }
0x34: {  	[smem:$0x3FB9] =	sst s10  }
0x35: {  	s10 =	sld [smem:$0x3FB8];
	_ =	sdelay $0x3  }
0x36: {  	p1 =	seq.s32 s10, $0x1;
	s10 =	sld [smem:$0x3FB9];
	_ =	sdelay $0x3  }
0x37: {  	[smem:$0x3FB9] =	sst s10  }
0x38: {  	s10 =	sld [smem:$0x3FBA]  }
0x39: {  	_ = 	snop;
	(pc) =	sbr.ind lr, $3  }
0x3a: {  	_ = 	snop  }
0x3b: {  	_ = 	snop  }
0x3c: {  	p2 =	seq.s32 s10, $0x1;
	s10 =	sld [smem:$0x3FB9]  }
0x3d: {  	_ =	shalt  }
0x3e: {  	_ =	shalt  }
0x3f: {  	_ =	shalt  }
0x40: {  	_ =	shalt  }
0x41: {  	_ =	shalt  }
0x42: {  	_ =	shalt  }
0x43: {  	_ =	shalt  }
0x44: {  	_ =	shalt  }
0x45: {  	_ =	shalt  }
0x46: {  	_ =	shalt  }
0x47: {  	_ =	shalt  }
0x48: {  	_ =	shalt  }
0x49: {  	_ =	shalt  }
0x4a: {  	_ =	shalt  }
0x4b: {  	_ =	shalt  }
0x4c: {  	_ =	shalt  }
0x4d: {  	_ =	shalt  }
0x4e: {  	_ =	shalt  }
0x4f: {  	_ =	shalt  }
0x50: {  	_ =	shalt  }
0x51: {  	_ =	shalt  }
0x52: {  	_ =	shalt  }
0x53: {  	_ =	shalt  }
0x54: {  	_ =	shalt  }
0x55: {  	_ =	shalt  }
0x56: {  	_ =	shalt  }
0x57: {  	_ =	shalt  }
0x58: {  	_ =	shalt  }
0x59: {  	_ =	shalt  }
0x5a: {  	_ =	shalt  }
0x5b: {  	_ =	shalt  }
0x5c: {  	_ =	shalt  }
0x5d: {  	_ =	shalt  }
0x5e: {  	_ =	shalt  }
0x5f: {  	_ =	shalt  }
0x60: {  	_ =	shalt  }
0x61: {  	_ =	shalt  }
0x62: {  	_ =	shalt  }
0x63: {  	_ =	shalt  }
0x64: {  	_ =	shalt  }
0x65: {  	_ =	shalt  }
0x66: {  	_ =	shalt  }
0x67: {  	_ =	shalt  }
0x68: {  	_ =	shalt  }
0x69: {  	_ =	shalt  }
0x6a: {  	_ =	shalt  }
0x6b: {  	_ =	shalt  }
0x6c: {  	_ =	shalt  }
0x6d: {  	_ =	shalt  }
0x6e: {  	_ =	shalt  }
0x6f: {  	_ =	shalt  }
0x70: {  	_ =	shalt  }
0x71: {  	_ =	shalt  }
0x72: {  	_ =	shalt  }
0x73: {  	_ =	shalt  }
0x74: {  	_ =	shalt  }
0x75: {  	_ =	shalt  }
0x76: {  	_ =	shalt  }
0x77: {  	_ =	shalt  }
0x78: {  	_ =	shalt  }
0x79: {  	_ =	shalt  }
0x7a: {  	_ =	shalt  }
0x7b: {  	_ =	shalt  }
0x7c: {  	_ =	shalt  }
0x7d: {  	_ =	shalt  }
0x7e: {  	_ =	shalt  }
0x7f: {  	_ =	shalt  }
0x80: {  	_ =	shalt  }
0x81: {  	_ =	shalt  }
0x82: {  	_ =	shalt  }
0x83: {  	_ =	shalt  }
0x84: {  	_ =	shalt  }
0x85: {  	_ =	shalt  }
0x86: {  	_ =	shalt  }
0x87: {  	_ =	shalt  }
.Lfunc_end0:
.L_simem_size_0:
called_computation_lowered:
.L_overlay_start_0:
0x88: {  	s2 =	sld [smem:$0x3FD9]  }
0x89: {  	s3 =	sld [smem:$0x3FFE];
	_ =	sdelay $0x1  }
0x8a: {  	s1 =	srdreg.scid  }
0x8b: {  	s0 =	sand.u32 $0x1, s1  }
0x8c: {  	s17 =	sshll.u32 s0, $0xA;
	s2 =	sadd.s32 s3, s2  }
0x8d: {  	s2 =	sadd.s32 s2, s17  }
0x8e: {  	[smem:$0x3FC5] =	sst s2  }
0x8f: {  	_ = 	snop  }
0x90: {  	s2 =	sld [smem:$0x3FD0];
	(tm) =	ssettm $0x1  }
0x91: {  	s18 =	sld [smem:$0x3FFB];
	_ =	sdelay $0x3  }
0x92: {  	_ =	strace s18  }
0x93: {  	s3 =	sld [smem:$0x3FFC];
	_ =	sdelay $0x3  }
0x94: {  	_ =	strace s3  }
0x95: {  	s3 =	sld [smem:$0x3FFD];
	_ =	sdelay $0x3  }
0x96: {  	_ =	strace s3  }
0x97: {  	_ =	strace $0x8FFFFFFF  }
0x98: {  	s19 =	sld [smem:$0x3FDB];
	_ =	sdelay $0x1  }
0x99: {  	s4 =	simm.s32 $_scs_section_size  }
0x9a: {  	s5 =	simm.s32 $_size__tile_overlayer_lowered;
	s6 =	simm.s32 $_tile_overlayer_lowered  }
0x9b: {  	s22 =	simm.s32 $0x1BFF;
	s21 =	sshll.u32 s6, $0x1;
	s3 =	sadd.s32 s4, s19  }
0x9c: {  	s7 =	simm.s32 $0x0;
	s20 =	sshll.u32 s5, $0x1;
	s5 =	sadd.s32 s21, s3  }
0x9d: {  	[timem:s7], [sflag:s22] =	dma.local [hbm:s5], s20  }
0x9e: {  	_ =	swait.ge [sflag:s22], s20  }
0x9f: {  	s4 =	ssub.s32 $0x0, s20;
	[sflag:s22] =	ssyncset.done $0x0  }
0xa0: {  	[sflag:s22] =	ssyncadd.s32 s4;
	_ =	sdelay $0x1  }
0xa1: {  	s23 =	simm.s32 $0x1B8B  }
0xa2: {  	_ =	swait.ge [sflag:s23], $0x1  }
0xa3: {  	[sflag:s23] =	ssyncset.done $0x0  }
0xa4: {  	s25 =	simm.s32 $0x1B8E;
	s24 =	sld [smem:$0x3FFE];
	[sflag:s23] =	ssyncadd.s32 $0xFFFFFFFF  }
0xa5: {  	s26 =	simm.s32 $execute0_lowered;
	[smem:$0x3FD2] =	sst s25  }
0xa6: {  	s5 =	sshll.u32 s26, $0x1;
	_ =	strace $0x80000046;
	[dreg:$0x1] =	wrdreg $0xFFFFFFFF  }
0xa7: {  	s28 =	simm.s32 $_size_execute0_lowered;
	s3 =	sadd.s32 s3, s5;
	[dreg:$0x0] =	wrdreg $0x0  }
0xa8: {  	s5 =	sshll.u32 s28, $0x1;
	[dreg:$0x2] =	wrdreg s3  }
0xa9: {  	[dreg:$0x3] =	wrdreg s5  }
0xaa: {  	[dreg:$0x4] =	wrdreg $0xC0  }
0xab: {  	_ =	task [dreg:s7], $0x5FFFF  }
0xac: {  	[dreg:$0x1] =	wrdreg $0xFFFFFFFF  }
0xad: {  	[dreg:$0x0] =	wrdreg $0x60  }
0xae: {  	[dreg:$0x2] =	wrdreg s24  }
0xaf: {  	[dreg:$0x3] =	wrdreg s2  }
0xb0: {  	[dreg:$0x4] =	wrdreg $0x9  }
0xb1: {  	_ =	task.clear_ibuf [dreg:s7], $0x5FFFF;
	_ =	strace $0x90000046  }
0xb2: {  	s29 =	simm.s32 $0x9;
	_ =	strace $0x80000048  }
0xb3: {  	_ =	swait.ge [sflag:s29], $0x1  }
0xb4: {  	[sflag:s29] =	ssyncadd.s32 $0xFFFFFFFF  }
0xb5: {  	_ =	strace $0x90000048  }
0xb6: {  	_ =	sfence  }
0xb7: {  	s30 =	sld [smem:$0x0];
	_ =	sdelay $0x2  }
0xb8: {  	s31 =	sshll.u32 s1, $0xD;
	s1 =	sshrl.u32 s1, $0x2  }
0xb9: {  	s3 =	sand.u32 $0x4000, s31;
	s1 =	sadd.s32 s1, s30  }
0xba: {  	s0 =	sor.u32 s3, s0;
	s1 =	sshll.u32 s1, $0x11  }
0xbb: {  	s0 =	sor.u32 s1, s0  }
0xbc: {  	s0 =	sadd.s32 $0x8F2B, s0  }
0xbd: {  	[sflag:s0] =	ssyncadd.remote.s32 $0x1  }
0xbe: {  	_ =	sfence.sel $0xFFFF  }
0xbf: {  	[dreg:$0x0] =	wrdreg $0xFFFFFFFF;
	(pc) =	sbr.abs _section_cstart, $3  }
0xc0: {  	[dreg:$0x1] =	wrdreg $0xFFFFFFFF  }
0xc1: {  	_ =	task.clear_ibuf [dreg:s7], $0x2FFFF;
	_ =	strace $0x9FFFFFFF  }
0xc2: {  	(tm) =	ssettm $0x7FFFFFFF  }
0xc3: {  	_ =	shalt  }
tec
execute0_lowered:
.L_overlay_start_1:
0x0: {  	(tag) =	ssettag $0x1  }
0x1: {  	s4 =	rddreg [dreg:$0x0]  }
0x2: {  	s6 =	rddreg [dreg:$0x1]  }
0x3: {  	s0 =	rddreg [dreg:$0x2]  }
0x4: {  	s2 =	simm.s32 $0x0;
	s3 =	srdreg.scid;
	s1 =	stileid.u32  }
0x5: {  	s11 =	simm.s32 $0x1200;
	s12 =	simm.s32 $0x100;
	s13 =	simm.s32 $0x2200  }
0x6: {  	s14 =	simm.s32 $0x180;
	s15 =	simm.s32 $0x3200;
	s16 =	simm.s32 $0x4200  }
0x7: {  	s17 =	simm.s32 $0x1;
	s18 =	simm.s32 $0x6200;
	s19 =	simm.s32 $0x0  }
0x8: {  	[smem:$0x7FF] =	sst s2;
	s5 =	sand.u32 $0x1, s3;
	s7 =	sshll.u32 s1, $0x1  }
0x9: {  	s3 =	sadd.s32 $0x101000, s4;
	_ =	strace $0x80000047;
	s7 =	sor.u32 s5, s7  }
0xa: {  	s5 =	ssub.s32 $0x2, s5;
	s8 =	sshll.u32 s7, $0x6;
	s9 =	sshll.u32 s7, $0xA  }
0xb: {  	s31 =	sshrl.u32 s5, $0x1;
	s7 =	sshll.u32 s7, $0x8;
	s8 =	sadd.s32 s8, s4  }
0xc: {  	s9 =	sadd.s32 s9, s4;
	s10 =	ssub.s32 s5, s31;
	s6 =	sadd.s32 s6, s7  }
0xd: {  	s4 =	sadd.s32 $0x1000, s8;
	s5 =	sadd.s32 $0x1800, s9;
	s7 =	smax.u32 s10, $0x1  }
0xe: {  	s8 =	simm.s32 $0x2;
	s9 =	simm.s32 $0x80;
	s10 =	simm.s32 $0x200  }
.LBB2_1:
0xf: {  	[tilespmem:s2], [sflag:$0x2] =	stream.linear.gather [hbm4b:s4+s2], $0x200, $0x38;
	[tilespmem:$0x6A00] =	vst v63  }
0x10: {  	_ =	swait.ge [sflag:s8], $0x200  }
0x11: {  	[sflag:s8] =	ssyncset.done $0x0  }
0x12: {  	[sflag:s8] =	ssyncadd.s32 $0xFFFFFE00  }
0x13: {  	[tilespmem:s10], [sflag:$0x1] =	stream.indirect.gather [hbm4b:s3+s9], $0x20, s2, s9, $0xb8;
	[tilespmem:$0x6A00] =	vst v63  }
0x14: {  	_ = 	snop  }
0x15: {  	[tilespmem:s11], [sflag:$0x1] =	stream.indirect.gather [hbm4b:s3+s9], $0x20, s9, s9, $0xb8;
	[tilespmem:$0x6A00] =	vst v63  }
0x16: {  	_ = 	snop  }
0x17: {  	[tilespmem:s13], [sflag:$0x1] =	stream.indirect.gather [hbm4b:s3+s9], $0x20, s12, s9, $0xb8;
	[tilespmem:$0x6A00] =	vst v63  }
0x18: {  	_ = 	snop  }
0x19: {  	[tilespmem:s15], [sflag:$0x1] =	stream.indirect.gather [hbm4b:s3+s9], $0x20, s14, s9, $0xb8;
	[tilespmem:$0x6A00] =	vst v63  }
0x1a: {  	_ = 	snop  }
0x1b: {  	[tilespmem:s16], [sflag:$0x2] =	stream.linear.gather [hbm4b:s5+s2], $0x2000, $0x38;
	[tilespmem:$0x6A00] =	vst v63  }
0x1c: {  	_ =	swait.ge [sflag:s8], $0x2000  }
0x1d: {  	[sflag:s8] =	ssyncset.done $0x0  }
0x1e: {  	[sflag:s8] =	ssyncadd.s32 $0xFFFFE000  }
0x1f: {  	_ =	swait.ge [sflag:s17], $0x1000  }
0x20: {  	[sflag:s17] =	ssyncset.done $0x0  }
0x21: {  	[sflag:s17] =	ssyncadd.s32 $0xFFFFF000  }
0x22: {  	_ =	swait.ge [sflag:s17], $0x1000  }
0x23: {  	[sflag:s17] =	ssyncset.done $0x0  }
0x24: {  	[sflag:s17] =	ssyncadd.s32 $0xFFFFF000  }
0x25: {  	_ =	swait.ge [sflag:s17], $0x1000  }
0x26: {  	[sflag:s17] =	ssyncset.done $0x0  }
0x27: {  	[sflag:s17] =	ssyncadd.s32 $0xFFFFF000  }
0x28: {  	_ =	swait.ge [sflag:s17], $0x1000  }
0x29: {  	[sflag:s17] =	ssyncset.done $0x0  }
0x2a: {  	s20 =	simm.s32 $0x280;
	[sflag:s17] =	ssyncadd.s32 $0xFFFFF000  }
0x2b: {  	v0 =	vld [tilespmem:s20+$0xFFFFFF90]  }
0x2c: {  	v1 =	vld [tilespmem:s20+$0x70]  }
0x2d: {  	v2 =	vld [tilespmem:s20+$0x50]  }
0x2e: {  	v3 =	vld [tilespmem:s20+$0x30]  }
0x2f: {  	v4 =	vld [tilespmem:s20+$0x10]  }
0x30: {  	v5 =	vld [tilespmem:s20+$0xFFFFFFF0]  }
0x31: {  	v6 =	vld [tilespmem:s20+$0xFFFFFFD0]  }
0x32: {  	s21 =	simm.s32 $0x4240;
	v7 =	vld [tilespmem:s20+$0xFFFFFFB0]  }
0x33: {  	v8 =	vld [tilespmem:s21+$0xFFFFFFC0]  }
0x34: {  	v9 =	vld [tilespmem:s20+$0xFFFFFF80]  }
0x35: {  	v10 =	vld [tilespmem:s21+$0xFFFFFFD0]  }
0x36: {  	v11 =	vld [tilespmem:s20+$0xFFFFFFA0]  }
0x37: {  	v12 =	vld [tilespmem:s21+$0xFFFFFFE0]  }
0x38: {  	v13 =	vld [tilespmem:s20+$0xFFFFFFC0];
	v0 =	vmul.f32 v0, v8  }
0x39: {  	v54 =	vld [tilespmem:s21+$0xFFFFFFF0];
	v8 =	vmul.f32 v9, v8  }
0x3a: {  	v14 =	vld [tilespmem:s20+$0xFFFFFFE0];
	v7 =	vmul.f32 v7, v10;
	v0 =	vadd.f32 $0.0e+00, v0  }
0x3b: {  	v55 =	vld [tilespmem:s21+$0x0];
	v10 =	vmul.f32 v11, v10;
	v8 =	vadd.f32 $0.0e+00, v8  }
0x3c: {  	v56 =	vld [tilespmem:s20+$0x0];
	v6 =	vmul.f32 v6, v12;
	v0 =	vadd.f32 v7, v0  }
0x3d: {  	v58 =	vld [tilespmem:s21+$0x10];
	v57 =	vmul.f32 v13, v12;
	v8 =	vadd.f32 v10, v8  }
0x3e: {  	v59 =	vld [tilespmem:s20+$0x20];
	v5 =	vmul.f32 v5, v54;
	v0 =	vadd.f32 v6, v0  }
0x3f: {  	v60 =	vld [tilespmem:s21+$0x20];
	v9 =	vmul.f32 v14, v54;
	v8 =	vadd.f32 v57, v8  }
0x40: {  	v61 =	vld [tilespmem:s20+$0x40];
	v4 =	vmul.f32 v4, v55;
	v0 =	vadd.f32 v5, v0  }
0x41: {  	v62 =	vld [tilespmem:s21+$0x30];
	v7 =	vmul.f32 v56, v55;
	v8 =	vadd.f32 v9, v8  }
0x42: {  	v63 =	vld [tilespmem:s20+$0x60];
	v3 =	vmul.f32 v3, v58;
	v0 =	vadd.f32 v4, v0  }
0x43: {  	v6 =	vmul.f32 v59, v58;
	v7 =	vadd.f32 v7, v8  }
0x44: {  	v2 =	vmul.f32 v2, v60;
	v0 =	vadd.f32 v3, v0  }
0x45: {  	v5 =	vmul.f32 v61, v60;
	v3 =	vadd.f32 v6, v7  }
0x46: {  	v1 =	vmul.f32 v1, v62;
	v0 =	vadd.f32 v2, v0  }
0x47: {  	v2 =	vadd.f32 v5, v3;
	v3 =	vmul.f32 v63, v62  }
0x48: {  	v1 =	vadd.f32 v1, v0  }
0x49: {  	s23 =	simm.s32 $0x0;
	v0 =	vadd.f32 v3, v2  }
0x4a: {  	s22 =	simm.s32 $0x80;
	[tilespmem:s23+$0x6210] =	vst v1  }
.LBB2_2:
0x4b: {  	p0 =	sne.s32 s22, $0x1F80;
	[tilespmem:s23+$0x6200] =	vst v0;
	s21 =	sadd.s32 $0x80, s21;
	s20 =	sadd.s32 $0x100, s20  }
0x4c: {  	s23 =	smov.u32 s22;
	s22 =	sadd.s32 $0x80, s22;
	v0 =	vld [tilespmem:s20+$0xFFFFFF90]  }
0x4d: {  	v1 =	vld [tilespmem:s20+$0x70]  }
0x4e: {  	v2 =	vld [tilespmem:s20+$0x50]  }
0x4f: {  	v3 =	vld [tilespmem:s20+$0x30]  }
0x50: {  	v4 =	vld [tilespmem:s20+$0x10]  }
0x51: {  	v5 =	vld [tilespmem:s20+$0xFFFFFFF0]  }
0x52: {  	v6 =	vld [tilespmem:s20+$0xFFFFFFD0]  }
0x53: {  	v7 =	vld [tilespmem:s20+$0xFFFFFFB0]  }
0x54: {  	v8 =	vld [tilespmem:s21+$0xFFFFFFC0]  }
0x55: {  	v9 =	vld [tilespmem:s20+$0xFFFFFF80]  }
0x56: {  	v10 =	vld [tilespmem:s21+$0xFFFFFFD0]  }
0x57: {  	v11 =	vld [tilespmem:s20+$0xFFFFFFA0]  }
0x58: {  	v12 =	vld [tilespmem:s21+$0xFFFFFFE0]  }
0x59: {  	v0 =	vmul.f32 v0, v8;
	v13 =	vld [tilespmem:s20+$0xFFFFFFC0]  }
0x5a: {  	v8 =	vmul.f32 v9, v8;
	v9 =	vld [tilespmem:s21+$0xFFFFFFF0]  }
0x5b: {  	v0 =	vadd.f32 $0.0e+00, v0;
	v7 =	vmul.f32 v7, v10;
	v14 =	vld [tilespmem:s20+$0xFFFFFFE0]  }
0x5c: {  	v8 =	vadd.f32 $0.0e+00, v8;
	v10 =	vmul.f32 v11, v10;
	v11 =	vld [tilespmem:s21+$0x0]  }
0x5d: {  	v0 =	vadd.f32 v7, v0;
	v6 =	vmul.f32 v6, v12;
	v7 =	vld [tilespmem:s20+$0x0]  }
0x5e: {  	v8 =	vadd.f32 v10, v8;
	v10 =	vmul.f32 v13, v12;
	v12 =	vld [tilespmem:s21+$0x10]  }
0x5f: {  	v0 =	vadd.f32 v6, v0;
	v5 =	vmul.f32 v5, v9;
	v6 =	vld [tilespmem:s20+$0x20]  }
0x60: {  	v8 =	vadd.f32 v10, v8;
	v9 =	vmul.f32 v14, v9;
	v10 =	vld [tilespmem:s21+$0x20]  }
0x61: {  	v0 =	vadd.f32 v5, v0;
	v4 =	vmul.f32 v4, v11;
	v5 =	vld [tilespmem:s20+$0x40]  }
0x62: {  	v8 =	vadd.f32 v9, v8;
	v7 =	vmul.f32 v7, v11;
	v9 =	vld [tilespmem:s21+$0x30]  }
0x63: {  	v0 =	vadd.f32 v4, v0;
	v3 =	vmul.f32 v3, v12;
	v4 =	vld [tilespmem:s20+$0x60]  }
0x64: {  	v7 =	vadd.f32 v7, v8;
	v6 =	vmul.f32 v6, v12  }
0x65: {  	v0 =	vadd.f32 v3, v0;
	v2 =	vmul.f32 v2, v10  }
0x66: {  	v3 =	vadd.f32 v6, v7;
	v5 =	vmul.f32 v5, v10  }
.Ltmp0:
0x67: {  	v0 =	vadd.f32 v2, v0;
	v1 =	vmul.f32 v1, v9;
	(pc) =	sbr.rel @p0 .LBB2_2-.Ltmp0, $4  }
0x68: {  	v2 =	vadd.f32 v5, v3;
	v3 =	vmul.f32 v4, v9  }
0x69: {  	v1 =	vadd.f32 v1, v0  }
0x6a: {  	s23 =	sshra.s32 s23, $0x2;
	v0 =	vadd.f32 v3, v2  }
0x6b: {  	[tilespmem:s23+$0x6210] =	vst v1  }
0x6c: {  	s19 =	sadd.s32 $0x1, s19  }
0x6d: {  	p0 =	sne.s32 s19, s7  }
.Ltmp1:
0x6e: {  	[tilespmem:s23+$0x6200] =	vst v0;
	(pc) =	sbr.rel @p0 .LBB2_1-.Ltmp1, $4  }
0x6f: {  	[hbm4b:s6+s2] =	stream.linear.scatter [tilespmem:s18], [sflag:$0x2], $0x800, $0x38;
	[tilespmem:$0x6A00] =	vst v63  }
0x70: {  	_ =	swait.ge [sflag:s8], $0x800  }
0x71: {  	[sflag:s8] =	ssyncset.done $0x0  }
0x72: {  	[sflag:s8] =	ssyncadd.s32 $0xFFFFF800  }
0x73: {  	_ =	sfence.sel $0x180000  }
0x74: {  	[bflag:$0x0] =	sbarrier.arrive $0xFFFF  }
0x75: {  	p0 =	sne.s32 s1, $0x0;
	_ =	strace $0x90000047  }
0x76: {  	s0 =	sadd.s32 @!p0 $0x100000, s0;
	[bflag:$0x2] =	sbarrier.arrive $0xFFFF  }
0x77: {  	[sflag:s0] =	ssyncadd.tile.s32 @!p0 $0x1;
	_ =	shalt  }
.Lfunc_end2:
_tile_overlayer_lowered:
.L_overlay_start_2:
0x78: {  	(tag) =	ssettag $0x2  }
0x79: {  	s0 =	rddreg [dreg:$0x0];
	s2 =	stileid.u32  }
0x7a: {  	s1 =	rddreg [dreg:$0x1];
	p0 =	sne.s32 s2, $0x0  }
0x7b: {  	s3 =	rddreg [dreg:$0x2];
	[bflag:$0x3] =	sbarrier.arrive $0xFFFF;
	s2 =	simm.s32 @!p0 $0x1C02  }
0x7c: {  	[timem:s3], [sflag:s2] =	dma.local @!p0 [hbm:s0], s1  }
0x7d: {  	s0 =	simm.s32 @!p0 $0x2  }
0x7e: {  	_ =	swait.ge @!p0 [sflag:s0], s1  }
0x7f: {  	s1 =	ssub.s32 @!p0 $0x0, s1;
	[sflag:s0] =	ssyncset.done @!p0 $0x0  }
0x80: {  	[sflag:s0] =	ssyncadd.s32 @!p0 s1  }
0x81: {  	[bflag:$0x3] =	sbarrier.arrive $0xFFFF  }
0x82: {  	_ =	shalt  }

</sc_bundles>
